<compile_context>
chip_gen: v7x
topology: tpu7x:2x2x1
jax: 0.10.2.dev20260603
libtpu: 0.0.44.dev20260713+nightly
codegen_flags: <defaults>
</compile_context>

<pallas_src>
import dataclasses

import jax
import jax.numpy as jnp
from jax import lax
from jax.experimental import pallas as pl
from jax.experimental.pallas import tpu as pltpu
from jax.experimental.pallas import tpu_sc as plsc

_ROWS = 4096
_COLS = 8192
_L = 16
_MINOR = 128
_SUB = _MINOR // _L
_MAJOR = _COLS // _MINOR
_MAGIC = 12582912.0


def _quant(v, width, frac_width):
    s = 2.0 ** frac_width
    th = 2.0 ** (width - 1)
    return jnp.clip(jnp.round(v * s), -th, th - 1.0) / s


def _make_tables(scale):
    addr = jnp.arange(256)
    mag = jnp.where(addr >= 128, addr - 256, addr).astype(jnp.float32)
    table_exp = _quant(jnp.exp(mag / 16.0 * scale), 8, 6)
    n = jnp.arange(1024).astype(jnp.float32)
    table_div = _quant(1.0 / n, 8, 7)
    return table_exp, table_div


def _row_body(texp_ref, tdiv_ref, idx_ref, flut_ref, x_vmem, o_vmem):
    zero = jnp.zeros((_L,), jnp.float32)

    def _pass1(j, accs):
        xs = [x_vmem[0, j, pl.ds(l * _L, _L)] for l in range(_SUB)]
        vs = [v * 16.0 for v in xs]
        vs = [jnp.maximum(v, -128.0) for v in vs]
        vs = [jnp.minimum(v, 127.0) for v in vs]
        vs = [v + _MAGIC for v in vs]
        ks = [lax.bitcast_convert_type(v, jnp.int32) & 255 for v in vs]
        for l in range(_SUB):
            idx_ref[j, pl.ds(l * _L, _L)] = ks[l]
        es = [plsc.load_gather(texp_ref, [k]) for k in ks]
        return tuple(accs[l] + es[l] for l in range(_SUB))

    accs = lax.fori_loop(0, _MAJOR, _pass1, (zero,) * _SUB)
    tot = accs[0]
    for l in range(1, _SUB):
        tot = tot + accs[l]
    s = jnp.sum(tot)

    for c in range(256 // _L):
        e = texp_ref[pl.ds(c * _L, _L)]
        y = s / e
        n = jnp.minimum(y, 1023.0).astype(jnp.int32)
        n = jnp.where(e == 0.0, 1023, n)
        flut_ref[pl.ds(c * _L, _L)] = plsc.load_gather(tdiv_ref, [n])

    @pl.loop(0, _MAJOR)
    def _pass2(j):
        ks = [idx_ref[j, pl.ds(l * _L, _L)] for l in range(_SUB)]
        ds_ = [plsc.load_gather(flut_ref, [k]) for k in ks]
        for l in range(_SUB):
            o_vmem[0, j, pl.ds(l * _L, _L)] = ds_[l]


def _sc_qhash(x3, table_exp, table_div):
    mesh = plsc.VectorSubcoreMesh(core_axis_name="c", subcore_axis_name="s")
    cp = pltpu.CompilerParams()
    if "needs_layout_passes" in pltpu.CompilerParams.__dataclass_fields__:
        cp = dataclasses.replace(cp, needs_layout_passes=False)
    if "use_tc_tiling_on_sc" in pltpu.CompilerParams.__dataclass_fields__:
        cp = dataclasses.replace(cp, use_tc_tiling_on_sc=True)

    @pl.kernel(
        compiler_params=cp,
        out_type=jax.ShapeDtypeStruct((_ROWS, _MAJOR, _MINOR), jnp.float32),
        mesh=mesh,
        scratch_types=[
            pltpu.VMEM((256,), jnp.float32),
            pltpu.VMEM((1024,), jnp.float32),
            pltpu.VMEM((_MAJOR, _MINOR), jnp.int32),
            pltpu.VMEM((256,), jnp.float32),
        ],
    )
    def _k(x_hbm, texp_hbm, tdiv_hbm, o_hbm, texp_ref, tdiv_ref, idx_ref, flut_ref):
        pltpu.sync_copy(texp_hbm, texp_ref)
        pltpu.sync_copy(tdiv_hbm, tdiv_ref)

        def body(x_vmem, o_vmem):
            _row_body(texp_ref, tdiv_ref, idx_ref, flut_ref, x_vmem, o_vmem)

        pltpu.emit_pipeline(
            body,
            grid=(_ROWS,),
            in_specs=[pl.BlockSpec((1, _MAJOR, _MINOR), lambda r: (r, 0, 0))],
            out_specs=[pl.BlockSpec((1, _MAJOR, _MINOR), lambda r: (r, 0, 0))],
            core_axis_name=("c", "s"),
            dimension_semantics=(pltpu.PARALLEL,),
        )(x_hbm, o_hbm)

    return _k(x3, table_exp, table_div)


def kernel(x, scale):
    orig_shape = x.shape
    table_exp, table_div = _make_tables(scale)
    x3 = x.reshape(_ROWS, _MAJOR, _MINOR)
    out = _sc_qhash(x3, table_exp, table_div)
    return out.reshape(orig_shape)

# --- scband reference (transcript-rebuilt; emitter-appended) ---
"""Pipeline reference for scband-qhash-softmax-63136019251231 (READ-ONLY COPY).

The authoritative reference and input builder live on the scoring server;
editing this copy changes nothing except your own understanding.
"""

import jax, jax.numpy as jnp
import numpy as np

IN_W = 8
IN_FW = 4
EXP_W = 8
EXP_FW = 6
OUT_W = 8
OUT_FW = 7
DIV_W = 10


def _integer_quantize(x, width, frac_width):
    s = 2.0 ** frac_width
    th = 2.0 ** (width - 1)
    return jnp.clip(jnp.round(x * s), -th, th - 1.0) / s


def _twos_complement_values(width, frac_width):
    # addr interpreted as two's complement integers, scaled by 2**frac_width
    addr = jnp.arange(2 ** width)
    mag = jnp.where(addr >= 2 ** (width - 1), addr - 2 ** width, addr)
    return mag.astype(jnp.float32) / (2.0 ** frac_width)


def generate_table_software(scale, width, frac_width, out_width, out_frac_width):
    vals = _twos_complement_values(width, frac_width) * scale
    return _integer_quantize(jnp.exp(vals), out_width, out_frac_width)


def generate_table_div_software(width, out_width, out_frac_width):
    # only the non-negative half of the two's complement range (sign bit 0)
    addr = jnp.arange(2 ** (width - 1)).astype(jnp.float32)
    # 1/0 -> inf, which round+clip saturates to the max representable value,
    # matching torch behavior
    table = _integer_quantize(1.0 / addr, out_width, out_frac_width)
    return table


def quantize_to_int(x, width, frac_width):
    q = _integer_quantize(x, width, frac_width) * (2.0 ** frac_width)
    return q.astype(jnp.int32) & (2 ** width - 1)


def setup_inputs(seed: int = 0) -> dict:
    key = jax.random.key(seed)
    x = jax.random.normal(key, (128, 32, 8192), dtype=jnp.float32)
    scale = jnp.ones((), dtype=jnp.float32)
    return {"x": x, "scale": scale}


def reference(x, scale):
    table_exp = generate_table_software(scale, IN_W, IN_FW, EXP_W, EXP_FW)
    table_div = generate_table_div_software(DIV_W + 1, OUT_W, OUT_FW)
    xi = quantize_to_int(x, IN_W, IN_FW)
    e = jnp.take(table_exp, xi, axis=0)
    e_sum = jnp.sum(e, axis=-1, keepdims=True)
    one_over_div = _integer_quantize(jnp.floor_divide(e_sum, e), DIV_W + 1, 0)
    one_over_div = jnp.where(e == 0, jnp.float32(2 ** DIV_W - 1), one_over_div)
    one_over_div = one_over_div.astype(jnp.int32)
    div = jnp.take(table_div, one_over_div, axis=0)
    return div

if __name__ == "__main__":
    import jax
    _d = setup_inputs()
    print(jax.jit(kernel)(*tuple(_d.values())))

</pallas_src>

<mosaic_0001>
#map = affine_map<(d0, d1) -> (0, 0, 0)>
#map1 = affine_map<(d0, d1) -> (0)>
module attributes {stable_mosaic.version = 14 : i64} {
  func.func @_k(%arg0: i32, %arg1: i32, %arg2: memref<4096x64x128xf32, #tpu.memory_space<hbm>>, %arg3: memref<256xf32, #tpu.memory_space<hbm>>, %arg4: memref<1024xf32, #tpu.memory_space<hbm>>, %arg5: memref<4096x64x128xf32, #tpu.memory_space<hbm>>, %arg6: memref<256xf32, #tpu.memory_space<vmem>>, %arg7: memref<1024xf32, #tpu.memory_space<vmem>>, %arg8: memref<64x128xi32, #tpu.memory_space<vmem>>, %arg9: memref<256xf32, #tpu.memory_space<vmem>>) attributes {dimension_semantics = [#tpu.dimension_semantics<core_parallel>, #tpu.dimension_semantics<subcore_parallel>], iteration_bounds = array<i64: 2, 16>, scalar_prefetch = 0 : i64, scratch_operands = 4 : i64, tpu.core_type = #tpu.core_type<sc_vector_subcore>, window_params = [{transform_indices = #map}, {transform_indices = #map1}, {transform_indices = #map1}, {transform_indices = #map}]} {
    "tpu.region"() ({
      %run_scoped3A = tpu.sem_alloc : memref<!tpu.dma_semaphore, #tpu.memory_space<semaphore_mem>>
      tpu.enqueue_dma source(%arg3 : memref<256xf32, #tpu.memory_space<hbm>>) target(%arg6 : memref<256xf32, #tpu.memory_space<vmem>>) target_semaphore(%run_scoped3A : memref<!tpu.dma_semaphore, #tpu.memory_space<semaphore_mem>>)
      tpu.wait_dma2 semaphore(%run_scoped3A : memref<!tpu.dma_semaphore, #tpu.memory_space<semaphore_mem>>) src(%arg3 : memref<256xf32, #tpu.memory_space<hbm>>) dst(%arg6 : memref<256xf32, #tpu.memory_space<vmem>>)
      tpu.yield
    }) : () -> ()
    "tpu.region"() ({
      %run_scoped3A = tpu.sem_alloc : memref<!tpu.dma_semaphore, #tpu.memory_space<semaphore_mem>>
      tpu.enqueue_dma source(%arg4 : memref<1024xf32, #tpu.memory_space<hbm>>) target(%arg7 : memref<1024xf32, #tpu.memory_space<vmem>>) target_semaphore(%run_scoped3A : memref<!tpu.dma_semaphore, #tpu.memory_space<semaphore_mem>>)
      tpu.wait_dma2 semaphore(%run_scoped3A : memref<!tpu.dma_semaphore, #tpu.memory_space<semaphore_mem>>) src(%arg4 : memref<1024xf32, #tpu.memory_space<hbm>>) dst(%arg7 : memref<1024xf32, #tpu.memory_space<vmem>>)
      tpu.yield
    }) : () -> ()
    %mul3A = arith.constant 1 : i32
    %mul3A_0 = arith.muli %arg1, %mul3A : i32
    %add3A = arith.constant 0 : i32
    %add3A_1 = arith.addi %add3A, %mul3A_0 : i32
    %mul3A_2 = arith.constant 16 : i32
    %mul3A_3 = arith.muli %arg0, %mul3A_2 : i32
    %add3A_4 = arith.addi %add3A_1, %mul3A_3 : i32
    %mul3A_5 = arith.constant 128 : i32
    %mul3A_6 = arith.muli %add3A_4, %mul3A_5 : i32
    "tpu.region"() ({
      %run_scoped3A = memref.alloca() : memref<2x1x64x128xf32, #tpu.memory_space<vmem>>
      %run_scoped3A_7 = tpu.sem_alloc : memref<2x!tpu.dma_semaphore, #tpu.memory_space<semaphore_mem>>
      %run_scoped3A_8 = memref.alloca() : memref<2x1x64x128xf32, #tpu.memory_space<vmem>>
      %run_scoped3A_9 = tpu.sem_alloc : memref<2x!tpu.dma_semaphore, #tpu.memory_space<semaphore_mem>>
      %add3A_10 = arith.constant 0 : i32
      %add3A_11 = arith.addi %add3A_10, %mul3A_6 : i32
      %select_n3A = arith.constant true
      %select_n3A_12 = arith.constant 0 : i32
      %select_n3A_13 = arith.constant -1 : i32
      %select_n3A_14 = arith.select %select_n3A, %select_n3A_13, %select_n3A_12 : i32
      %eq3A = arith.constant -1 : i32
      %eq3A_15 = arith.cmpi eq, %select_n3A_14, %eq3A : i32
      %select_n3A_16 = arith.constant 127 : i32
      %select_n3A_17 = arith.select %eq3A_15, %select_n3A_16, %select_n3A_14 : i32
      %add3A_18 = arith.addi %select_n3A_17, %mul3A_6 : i32
      %select_n3A_19 = arith.constant true
      %select_n3A_20 = arith.constant 0 : i32
      %select_n3A_21 = arith.constant 1 : i32
      %select_n3A_22 = arith.select %select_n3A_19, %select_n3A_21, %select_n3A_20 : i32
      %eq3A_23 = arith.constant 128 : i32
      %eq3A_24 = arith.cmpi eq, %select_n3A_22, %eq3A_23 : i32
      %select_n3A_25 = arith.constant 0 : i32
      %select_n3A_26 = arith.select %eq3A_24, %select_n3A_25, %select_n3A_22 : i32
      %add3A_27 = arith.addi %select_n3A_26, %mul3A_6 : i32
      %add3A_28 = arith.constant 1 : i32
      %add3A_29 = arith.addi %select_n3A_26, %add3A_28 : i32
      %select_n3A_30 = arith.constant true
      %select_n3A_31 = arith.select %select_n3A_30, %add3A_29, %select_n3A_26 : i32
      %eq3A_32 = arith.constant 128 : i32
      %eq3A_33 = arith.cmpi eq, %select_n3A_31, %eq3A_32 : i32
      %select_n3A_34 = arith.constant 0 : i32
      %select_n3A_35 = arith.select %eq3A_33, %select_n3A_34, %select_n3A_31 : i32
      %add3A_36 = arith.addi %select_n3A_35, %mul3A_6 : i32
      "tpu.trace_start"() <{level = 10 : i32, message = "ep_initialize_0"}> : () -> ()
      %rem3A = arith.constant 0 : i32
      %rem3A_37 = arith.constant 2 : i32
      %rem3A_38 = arith.remui %rem3A, %rem3A_37 : i32
      %mul3A_39 = arith.constant 1 : i32
      %mul3A_40 = arith.muli %mul3A_39, %add3A_11 : i32
      %dma_start3A = arith.constant 0 : i32
      %dma_start3A_41 = arith.constant 0 : i32
      %dma_start3A_42 = arith.constant 0 : i32
      %dma_start3A_43 = tpu.memref_slice %run_scoped3A[%rem3A_38, %dma_start3A, %dma_start3A_41, %dma_start3A_42] : memref<2x1x64x128xf32, #tpu.memory_space<vmem>> -> memref<1x1x64x128xf32, #tpu.memory_space<vmem>>
      %dma_start3A_44 = tpu.memref_squeeze %dma_start3A_43 : memref<1x1x64x128xf32, #tpu.memory_space<vmem>> -> memref<1x64x128xf32, #tpu.memory_space<vmem>>
      %dma_start3A_45 = arith.constant 0 : i32
      %dma_start3A_46 = arith.constant 0 : i32
      %dma_start3A_47 = tpu.memref_slice %arg2[%mul3A_40, %dma_start3A_45, %dma_start3A_46] : memref<4096x64x128xf32, #tpu.memory_space<hbm>> -> memref<1x64x128xf32, #tpu.memory_space<hbm>>
      %dma_start3A_48 = tpu.memref_slice %run_scoped3A_7[%rem3A_38] : memref<2x!tpu.dma_semaphore, #tpu.memory_space<semaphore_mem>> -> memref<1x!tpu.dma_semaphore, #tpu.memory_space<semaphore_mem>>
      %dma_start3A_49 = tpu.memref_squeeze %dma_start3A_48 : memref<1x!tpu.dma_semaphore, #tpu.memory_space<semaphore_mem>> -> memref<!tpu.dma_semaphore, #tpu.memory_space<semaphore_mem>>
      %dma_start3A_50 = arith.constant 0 : i32
      %dma_start3A_51 = arith.constant 0 : i32
      %dma_start3A_52 = arith.constant 0 : i32
      %dma_start3A_53 = tpu.memref_slice %run_scoped3A[%rem3A_38, %dma_start3A_50, %dma_start3A_51, %dma_start3A_52] : memref<2x1x64x128xf32, #tpu.memory_space<vmem>> -> memref<1x1x64x128xf32, #tpu.memory_space<vmem>>
      %dma_start3A_54 = tpu.memref_squeeze %dma_start3A_53 : memref<1x1x64x128xf32, #tpu.memory_space<vmem>> -> memref<1x64x128xf32, #tpu.memory_space<vmem>>
      %dma_start3A_55 = arith.constant 0 : i32
      %dma_start3A_56 = arith.constant 0 : i32
      %dma_start3A_57 = tpu.memref_slice %arg2[%mul3A_40, %dma_start3A_55, %dma_start3A_56] : memref<4096x64x128xf32, #tpu.memory_space<hbm>> -> memref<1x64x128xf32, #tpu.memory_space<hbm>>
      tpu.enqueue_dma source(%dma_start3A_57 : memref<1x64x128xf32, #tpu.memory_space<hbm>>) target(%dma_start3A_54 : memref<1x64x128xf32, #tpu.memory_space<vmem>>) target_semaphore(%dma_start3A_49 : memref<!tpu.dma_semaphore, #tpu.memory_space<semaphore_mem>>)
      %add3A_58 = arith.constant 0 : i32
      %add3A_59 = arith.constant 1 : i32
      %add3A_60 = arith.addi %add3A_58, %add3A_59 : i32
      %select_n3A_61 = arith.constant true
      %select_n3A_62 = arith.constant 0 : i32
      %select_n3A_63 = arith.select %select_n3A_61, %add3A_60, %select_n3A_62 : i32
      "tpu.trace_stop"() : () -> ()
      %scan3A = arith.constant 0 : i32
      %scan3A_64 = arith.constant 0 : i32
      %scan3A_65 = arith.constant 0 : i32
      %scan3A_66 = arith.constant 0 : i32
      %scan3A_67 = arith.constant 0 : i32
      %scan3A_68 = arith.constant 128 : i32
      %scan3A_69 = arith.addi %scan3A_67, %scan3A_68 : i32
      %scan3A_70 = arith.constant 1 : i32
      %scan3A_71:5 = scf.for %scan3A_129 = %scan3A_67 to %scan3A_69 step %scan3A_70 iter_args(%scan3A_130 = %select_n3A_63, %scan3A_131 = %scan3A, %scan3A_132 = %scan3A_64, %scan3A_133 = %scan3A_65, %scan3A_134 = %scan3A_66) -> (i32, i32, i32, i32, i32)  : i32 {
        %eq3A_135 = arith.constant 0 : i32
        %eq3A_136 = arith.cmpi eq, %scan3A_129, %eq3A_135 : i32
        %eq3A_137 = arith.constant 127 : i32
        %eq3A_138 = arith.cmpi eq, %scan3A_129, %eq3A_137 : i32
        %add3A_139 = arith.addi %scan3A_134, %mul3A_6 : i32
        %sub3A_140 = arith.constant 1 : i32
        %sub3A_141 = arith.subi %scan3A_134, %sub3A_140 : i32
        %select_n3A_142 = arith.constant true
        %select_n3A_143 = arith.select %select_n3A_142, %sub3A_141, %scan3A_134 : i32
        %eq3A_144 = arith.constant -1 : i32
        %eq3A_145 = arith.cmpi eq, %select_n3A_143, %eq3A_144 : i32
        %select_n3A_146 = arith.constant 127 : i32
        %select_n3A_147 = arith.select %eq3A_145, %select_n3A_146, %select_n3A_143 : i32
        %add3A_148 = arith.addi %select_n3A_147, %mul3A_6 : i32
        %add3A_149 = arith.constant 1 : i32
        %add3A_150 = arith.addi %scan3A_134, %add3A_149 : i32
        %select_n3A_151 = arith.constant true
        %select_n3A_152 = arith.select %select_n3A_151, %add3A_150, %scan3A_134 : i32
        %eq3A_153 = arith.constant 128 : i32
        %eq3A_154 = arith.cmpi eq, %select_n3A_152, %eq3A_153 : i32
        %select_n3A_155 = arith.constant 0 : i32
        %select_n3A_156 = arith.select %eq3A_154, %select_n3A_155, %select_n3A_152 : i32
        %add3A_157 = arith.addi %select_n3A_156, %mul3A_6 : i32
        %add3A_158 = arith.constant 1 : i32
        %add3A_159 = arith.addi %select_n3A_156, %add3A_158 : i32
        %select_n3A_160 = arith.constant true
        %select_n3A_161 = arith.select %select_n3A_160, %add3A_159, %select_n3A_156 : i32
        %eq3A_162 = arith.constant 128 : i32
        %eq3A_163 = arith.cmpi eq, %select_n3A_161, %eq3A_162 : i32
        %select_n3A_164 = arith.constant 0 : i32
        %select_n3A_165 = arith.select %eq3A_163, %select_n3A_164, %select_n3A_161 : i32
        %add3A_166 = arith.addi %select_n3A_165, %mul3A_6 : i32
        %ne3A = arith.cmpi ne, %add3A_139, %add3A_157 : i32
        %or3A = arith.constant false
        %or3A_167 = arith.ori %or3A, %ne3A : i1
        %or3A_168 = arith.constant false
        %or3A_169 = arith.ori %or3A_167, %or3A_168 : i1
        %or3A_170 = arith.constant false
        %or3A_171 = arith.ori %or3A_169, %or3A_170 : i1
        %ge3A = arith.constant 127 : i32
        %ge3A_172 = arith.cmpi sge, %scan3A_129, %ge3A : i32
        %not3A = arith.constant true
        %not3A_173 = arith.xori %ge3A_172, %not3A : i1
        %and3A = arith.andi %or3A_171, %not3A_173 : i1
        %convert_element_type3A = arith.extui %and3A : i1 to i32
        %cond3A = arith.constant 0 : i32
        %cond3A_174 = arith.cmpi ne, %convert_element_type3A, %cond3A : i32
        scf.if %cond3A_174 {
          "tpu.trace_start"() <{level = 10 : i32, message = "ep_copy_in"}> : () -> ()
          %rem3A_587 = arith.constant 2 : i32
          %rem3A_588 = arith.remui %scan3A_130, %rem3A_587 : i32
          %mul3A_589 = arith.constant 1 : i32
          %mul3A_590 = arith.muli %mul3A_589, %add3A_157 : i32
          %dma_start3A_591 = arith.constant 0 : i32
          %dma_start3A_592 = arith.constant 0 : i32
          %dma_start3A_593 = arith.constant 0 : i32
          %dma_start3A_594 = tpu.memref_slice %run_scoped3A[%rem3A_588, %dma_start3A_591, %dma_start3A_592, %dma_start3A_593] : memref<2x1x64x128xf32, #tpu.memory_space<vmem>> -> memref<1x1x64x128xf32, #tpu.memory_space<vmem>>
          %dma_start3A_595 = tpu.memref_squeeze %dma_start3A_594 : memref<1x1x64x128xf32, #tpu.memory_space<vmem>> -> memref<1x64x128xf32, #tpu.memory_space<vmem>>
          %dma_start3A_596 = arith.constant 0 : i32
          %dma_start3A_597 = arith.constant 0 : i32
          %dma_start3A_598 = tpu.memref_slice %arg2[%mul3A_590, %dma_start3A_596, %dma_start3A_597] : memref<4096x64x128xf32, #tpu.memory_space<hbm>> -> memref<1x64x128xf32, #tpu.memory_space<hbm>>
          %dma_start3A_599 = tpu.memref_slice %run_scoped3A_7[%rem3A_588] : memref<2x!tpu.dma_semaphore, #tpu.memory_space<semaphore_mem>> -> memref<1x!tpu.dma_semaphore, #tpu.memory_space<semaphore_mem>>
          %dma_start3A_600 = tpu.memref_squeeze %dma_start3A_599 : memref<1x!tpu.dma_semaphore, #tpu.memory_space<semaphore_mem>> -> memref<!tpu.dma_semaphore, #tpu.memory_space<semaphore_mem>>
          %dma_start3A_601 = arith.constant 0 : i32
          %dma_start3A_602 = arith.constant 0 : i32
          %dma_start3A_603 = arith.constant 0 : i32
          %dma_start3A_604 = tpu.memref_slice %run_scoped3A[%rem3A_588, %dma_start3A_601, %dma_start3A_602, %dma_start3A_603] : memref<2x1x64x128xf32, #tpu.memory_space<vmem>> -> memref<1x1x64x128xf32, #tpu.memory_space<vmem>>
          %dma_start3A_605 = tpu.memref_squeeze %dma_start3A_604 : memref<1x1x64x128xf32, #tpu.memory_space<vmem>> -> memref<1x64x128xf32, #tpu.memory_space<vmem>>
          %dma_start3A_606 = arith.constant 0 : i32
          %dma_start3A_607 = arith.constant 0 : i32
          %dma_start3A_608 = tpu.memref_slice %arg2[%mul3A_590, %dma_start3A_606, %dma_start3A_607] : memref<4096x64x128xf32, #tpu.memory_space<hbm>> -> memref<1x64x128xf32, #tpu.memory_space<hbm>>
          tpu.enqueue_dma source(%dma_start3A_608 : memref<1x64x128xf32, #tpu.memory_space<hbm>>) target(%dma_start3A_605 : memref<1x64x128xf32, #tpu.memory_space<vmem>>) target_semaphore(%dma_start3A_600 : memref<!tpu.dma_semaphore, #tpu.memory_space<semaphore_mem>>)
          "tpu.trace_stop"() : () -> ()
        } else {
        }
        %and3A_175 = arith.constant true
        %and3A_176 = arith.andi %and3A, %and3A_175 : i1
        %add3A_177 = arith.constant 1 : i32
        %add3A_178 = arith.addi %scan3A_130, %add3A_177 : i32
        %select_n3A_179 = arith.select %and3A_176, %add3A_178, %scan3A_130 : i32
        %ne3A_180 = arith.cmpi ne, %add3A_139, %add3A_157 : i32
        %or3A_181 = arith.constant false
        %or3A_182 = arith.ori %or3A_181, %ne3A_180 : i1
        %or3A_183 = arith.constant false
        %or3A_184 = arith.ori %or3A_182, %or3A_183 : i1
        %or3A_185 = arith.constant false
        %or3A_186 = arith.ori %or3A_184, %or3A_185 : i1
        %ge3A_187 = arith.constant 127 : i32
        %ge3A_188 = arith.cmpi sge, %scan3A_129, %ge3A_187 : i32
        %not3A_189 = arith.constant true
        %not3A_190 = arith.xori %ge3A_188, %not3A_189 : i1
        %and3A_191 = arith.andi %or3A_186, %not3A_190 : i1
        %ne3A_192 = arith.cmpi ne, %add3A_139, %add3A_148 : i32
        %or3A_193 = arith.constant false
        %or3A_194 = arith.ori %or3A_193, %ne3A_192 : i1
        %or3A_195 = arith.constant false
        %or3A_196 = arith.ori %or3A_194, %or3A_195 : i1
        %or3A_197 = arith.constant false
        %or3A_198 = arith.ori %or3A_196, %or3A_197 : i1
        %or3A_199 = arith.ori %or3A_198, %eq3A_136 : i1
        %convert_element_type3A_200 = arith.extui %or3A_199 : i1 to i32
        %cond3A_201 = arith.constant 0 : i32
        %cond3A_202 = arith.cmpi ne, %convert_element_type3A_200, %cond3A_201 : i32
        scf.if %cond3A_202 {
          "tpu.trace_start"() <{level = 10 : i32, message = "ep_wait_in"}> : () -> ()
          %mul3A_587 = arith.constant 1 : i32
          %mul3A_588 = arith.muli %mul3A_587, %add3A_139 : i32
          %rem3A_589 = arith.constant 2 : i32
          %rem3A_590 = arith.remui %scan3A_131, %rem3A_589 : i32
          %dma_wait3A_591 = arith.constant 0 : i32
          %dma_wait3A_592 = arith.constant 0 : i32
          %dma_wait3A_593 = arith.constant 0 : i32
          %dma_wait3A_594 = tpu.memref_slice %run_scoped3A[%rem3A_590, %dma_wait3A_591, %dma_wait3A_592, %dma_wait3A_593] : memref<2x1x64x128xf32, #tpu.memory_space<vmem>> -> memref<1x1x64x128xf32, #tpu.memory_space<vmem>>
          %dma_wait3A_595 = tpu.memref_squeeze %dma_wait3A_594 : memref<1x1x64x128xf32, #tpu.memory_space<vmem>> -> memref<1x64x128xf32, #tpu.memory_space<vmem>>
          %dma_wait3A_596 = arith.constant 0 : i32
          %dma_wait3A_597 = arith.constant 0 : i32
          %dma_wait3A_598 = tpu.memref_slice %arg2[%mul3A_588, %dma_wait3A_596, %dma_wait3A_597] : memref<4096x64x128xf32, #tpu.memory_space<hbm>> -> memref<1x64x128xf32, #tpu.memory_space<hbm>>
          %dma_wait3A_599 = tpu.memref_slice %run_scoped3A_7[%rem3A_590] : memref<2x!tpu.dma_semaphore, #tpu.memory_space<semaphore_mem>> -> memref<1x!tpu.dma_semaphore, #tpu.memory_space<semaphore_mem>>
          %dma_wait3A_600 = tpu.memref_squeeze %dma_wait3A_599 : memref<1x!tpu.dma_semaphore, #tpu.memory_space<semaphore_mem>> -> memref<!tpu.dma_semaphore, #tpu.memory_space<semaphore_mem>>
          %dma_wait3A_601 = arith.constant 0 : i32
          %dma_wait3A_602 = arith.constant 0 : i32
          %dma_wait3A_603 = arith.constant 0 : i32
          %dma_wait3A_604 = tpu.memref_slice %run_scoped3A[%rem3A_590, %dma_wait3A_601, %dma_wait3A_602, %dma_wait3A_603] : memref<2x1x64x128xf32, #tpu.memory_space<vmem>> -> memref<1x1x64x128xf32, #tpu.memory_space<vmem>>
          %dma_wait3A_605 = tpu.memref_squeeze %dma_wait3A_604 : memref<1x1x64x128xf32, #tpu.memory_space<vmem>> -> memref<1x64x128xf32, #tpu.memory_space<vmem>>
          %dma_wait3A_606 = arith.constant 0 : i32
          %dma_wait3A_607 = arith.constant 0 : i32
          %dma_wait3A_608 = tpu.memref_slice %arg2[%mul3A_588, %dma_wait3A_606, %dma_wait3A_607] : memref<4096x64x128xf32, #tpu.memory_space<hbm>> -> memref<1x64x128xf32, #tpu.memory_space<hbm>>
          tpu.wait_dma2 semaphore(%dma_wait3A_600 : memref<!tpu.dma_semaphore, #tpu.memory_space<semaphore_mem>>) src(%dma_wait3A_608 : memref<1x64x128xf32, #tpu.memory_space<hbm>>) dst(%dma_wait3A_605 : memref<1x64x128xf32, #tpu.memory_space<vmem>>)
          "tpu.trace_stop"() : () -> ()
        } else {
        }
        %ne3A_203 = arith.cmpi ne, %add3A_139, %add3A_148 : i32
        %or3A_204 = arith.constant false
        %or3A_205 = arith.ori %or3A_204, %ne3A_203 : i1
        %or3A_206 = arith.constant false
        %or3A_207 = arith.ori %or3A_205, %or3A_206 : i1
        %or3A_208 = arith.constant false
        %or3A_209 = arith.ori %or3A_207, %or3A_208 : i1
        %or3A_210 = arith.ori %or3A_209, %eq3A_136 : i1
        %convert_element_type3A_211 = arith.extui %or3A_210 : i1 to i32
        %cond3A_212 = arith.constant 0 : i32
        %cond3A_213 = arith.cmpi ne, %convert_element_type3A_211, %cond3A_212 : i32
        scf.if %cond3A_213 {
        } else {
        }
        %rem3A_214 = arith.constant 2 : i32
        %rem3A_215 = arith.remui %scan3A_131, %rem3A_214 : i32
        %rem3A_216 = arith.constant 2 : i32
        %rem3A_217 = arith.remui %scan3A_132, %rem3A_216 : i32
        %broadcast_in_dim3A = arith.constant 0.000000e+00 : f32
        "tpu.trace_start"() <{level = 10 : i32, message = "ep_run_kernel"}> : () -> ()
        %broadcast_in_dim3A_218 = vector.broadcast %broadcast_in_dim3A : f32 to vector<16xf32>
        %scan3A_219 = arith.constant 0 : i32
        %scan3A_220 = arith.constant 64 : i32
        %scan3A_221 = arith.addi %scan3A_219, %scan3A_220 : i32
        %scan3A_222 = arith.constant 1 : i32
        %scan3A_223:8 = scf.for %scan3A_587 = %scan3A_219 to %scan3A_221 step %scan3A_222 iter_args(%scan3A_588 = %broadcast_in_dim3A_218, %scan3A_589 = %broadcast_in_dim3A_218, %scan3A_590 = %broadcast_in_dim3A_218, %scan3A_591 = %broadcast_in_dim3A_218, %scan3A_592 = %broadcast_in_dim3A_218, %scan3A_593 = %broadcast_in_dim3A_218, %scan3A_594 = %broadcast_in_dim3A_218, %scan3A_595 = %broadcast_in_dim3A_218) -> (vector<16xf32>, vector<16xf32>, vector<16xf32>, vector<16xf32>, vector<16xf32>, vector<16xf32>, vector<16xf32>, vector<16xf32>)  : i32 {
          %get3A_596 = arith.constant 0 : i32
          %get3A_597 = arith.constant 0 : i32
          %get3A_598 = arith.constant 0 : i32
          %get3A_599 = arith.constant 0 : i32
          %get3A_600 = tpu.memref_slice %run_scoped3A[%rem3A_215, %get3A_597, %get3A_598, %get3A_599] : memref<2x1x64x128xf32, #tpu.memory_space<vmem>> -> memref<1x1x64x128xf32, #tpu.memory_space<vmem>>
          %get3A_601 = tpu.memref_squeeze %get3A_600 : memref<1x1x64x128xf32, #tpu.memory_space<vmem>> -> memref<1x64x128xf32, #tpu.memory_space<vmem>>
          %get3A_602 = arith.index_cast %get3A_596 : i32 to index
          %get3A_603 = arith.index_cast %scan3A_587 : i32 to index
          %get3A_604 = arith.constant 0 : index
          %get3A_605 = tpu.vector_load %get3A_601[%get3A_602, %get3A_603, %get3A_604] {strides = array<i32>} : memref<1x64x128xf32, #tpu.memory_space<vmem>>, vector<16xf32>,
          %get3A_606 = arith.constant 0 : i32
          %get3A_607 = arith.constant 0 : i32
          %get3A_608 = arith.constant 0 : i32
          %get3A_609 = arith.constant 0 : i32
          %get3A_610 = tpu.memref_slice %run_scoped3A[%rem3A_215, %get3A_607, %get3A_608, %get3A_609] : memref<2x1x64x128xf32, #tpu.memory_space<vmem>> -> memref<1x1x64x128xf32, #tpu.memory_space<vmem>>
          %get3A_611 = tpu.memref_squeeze %get3A_610 : memref<1x1x64x128xf32, #tpu.memory_space<vmem>> -> memref<1x64x128xf32, #tpu.memory_space<vmem>>
          %get3A_612 = arith.index_cast %get3A_606 : i32 to index
          %get3A_613 = arith.index_cast %scan3A_587 : i32 to index
          %get3A_614 = arith.constant 16 : index
          %get3A_615 = tpu.vector_load %get3A_611[%get3A_612, %get3A_613, %get3A_614] {strides = array<i32>} : memref<1x64x128xf32, #tpu.memory_space<vmem>>, vector<16xf32>,
          %get3A_616 = arith.constant 0 : i32
          %get3A_617 = arith.constant 0 : i32
          %get3A_618 = arith.constant 0 : i32
          %get3A_619 = arith.constant 0 : i32
          %get3A_620 = tpu.memref_slice %run_scoped3A[%rem3A_215, %get3A_617, %get3A_618, %get3A_619] : memref<2x1x64x128xf32, #tpu.memory_space<vmem>> -> memref<1x1x64x128xf32, #tpu.memory_space<vmem>>
          %get3A_621 = tpu.memref_squeeze %get3A_620 : memref<1x1x64x128xf32, #tpu.memory_space<vmem>> -> memref<1x64x128xf32, #tpu.memory_space<vmem>>
          %get3A_622 = arith.index_cast %get3A_616 : i32 to index
          %get3A_623 = arith.index_cast %scan3A_587 : i32 to index
          %get3A_624 = arith.constant 32 : index
          %get3A_625 = tpu.vector_load %get3A_621[%get3A_622, %get3A_623, %get3A_624] {strides = array<i32>} : memref<1x64x128xf32, #tpu.memory_space<vmem>>, vector<16xf32>,
          %get3A_626 = arith.constant 0 : i32
          %get3A_627 = arith.constant 0 : i32
          %get3A_628 = arith.constant 0 : i32
          %get3A_629 = arith.constant 0 : i32
          %get3A_630 = tpu.memref_slice %run_scoped3A[%rem3A_215, %get3A_627, %get3A_628, %get3A_629] : memref<2x1x64x128xf32, #tpu.memory_space<vmem>> -> memref<1x1x64x128xf32, #tpu.memory_space<vmem>>
          %get3A_631 = tpu.memref_squeeze %get3A_630 : memref<1x1x64x128xf32, #tpu.memory_space<vmem>> -> memref<1x64x128xf32, #tpu.memory_space<vmem>>
          %get3A_632 = arith.index_cast %get3A_626 : i32 to index
          %get3A_633 = arith.index_cast %scan3A_587 : i32 to index
          %get3A_634 = arith.constant 48 : index
          %get3A_635 = tpu.vector_load %get3A_631[%get3A_632, %get3A_633, %get3A_634] {strides = array<i32>} : memref<1x64x128xf32, #tpu.memory_space<vmem>>, vector<16xf32>,
          %get3A_636 = arith.constant 0 : i32
          %get3A_637 = arith.constant 0 : i32
          %get3A_638 = arith.constant 0 : i32
          %get3A_639 = arith.constant 0 : i32
          %get3A_640 = tpu.memref_slice %run_scoped3A[%rem3A_215, %get3A_637, %get3A_638, %get3A_639] : memref<2x1x64x128xf32, #tpu.memory_space<vmem>> -> memref<1x1x64x128xf32, #tpu.memory_space<vmem>>
          %get3A_641 = tpu.memref_squeeze %get3A_640 : memref<1x1x64x128xf32, #tpu.memory_space<vmem>> -> memref<1x64x128xf32, #tpu.memory_space<vmem>>
          %get3A_642 = arith.index_cast %get3A_636 : i32 to index
          %get3A_643 = arith.index_cast %scan3A_587 : i32 to index
          %get3A_644 = arith.constant 64 : index
          %get3A_645 = tpu.vector_load %get3A_641[%get3A_642, %get3A_643, %get3A_644] {strides = array<i32>} : memref<1x64x128xf32, #tpu.memory_space<vmem>>, vector<16xf32>,
          %get3A_646 = arith.constant 0 : i32
          %get3A_647 = arith.constant 0 : i32
          %get3A_648 = arith.constant 0 : i32
          %get3A_649 = arith.constant 0 : i32
          %get3A_650 = tpu.memref_slice %run_scoped3A[%rem3A_215, %get3A_647, %get3A_648, %get3A_649] : memref<2x1x64x128xf32, #tpu.memory_space<vmem>> -> memref<1x1x64x128xf32, #tpu.memory_space<vmem>>
          %get3A_651 = tpu.memref_squeeze %get3A_650 : memref<1x1x64x128xf32, #tpu.memory_space<vmem>> -> memref<1x64x128xf32, #tpu.memory_space<vmem>>
          %get3A_652 = arith.index_cast %get3A_646 : i32 to index
          %get3A_653 = arith.index_cast %scan3A_587 : i32 to index
          %get3A_654 = arith.constant 80 : index
          %get3A_655 = tpu.vector_load %get3A_651[%get3A_652, %get3A_653, %get3A_654] {strides = array<i32>} : memref<1x64x128xf32, #tpu.memory_space<vmem>>, vector<16xf32>,
          %get3A_656 = arith.constant 0 : i32
          %get3A_657 = arith.constant 0 : i32
          %get3A_658 = arith.constant 0 : i32
          %get3A_659 = arith.constant 0 : i32
          %get3A_660 = tpu.memref_slice %run_scoped3A[%rem3A_215, %get3A_657, %get3A_658, %get3A_659] : memref<2x1x64x128xf32, #tpu.memory_space<vmem>> -> memref<1x1x64x128xf32, #tpu.memory_space<vmem>>
          %get3A_661 = tpu.memref_squeeze %get3A_660 : memref<1x1x64x128xf32, #tpu.memory_space<vmem>> -> memref<1x64x128xf32, #tpu.memory_space<vmem>>
          %get3A_662 = arith.index_cast %get3A_656 : i32 to index
          %get3A_663 = arith.index_cast %scan3A_587 : i32 to index
          %get3A_664 = arith.constant 96 : index
          %get3A_665 = tpu.vector_load %get3A_661[%get3A_662, %get3A_663, %get3A_664] {strides = array<i32>} : memref<1x64x128xf32, #tpu.memory_space<vmem>>, vector<16xf32>,
          %get3A_666 = arith.constant 0 : i32
          %get3A_667 = arith.constant 0 : i32
          %get3A_668 = arith.constant 0 : i32
          %get3A_669 = arith.constant 0 : i32
          %get3A_670 = tpu.memref_slice %run_scoped3A[%rem3A_215, %get3A_667, %get3A_668, %get3A_669] : memref<2x1x64x128xf32, #tpu.memory_space<vmem>> -> memref<1x1x64x128xf32, #tpu.memory_space<vmem>>
          %get3A_671 = tpu.memref_squeeze %get3A_670 : memref<1x1x64x128xf32, #tpu.memory_space<vmem>> -> memref<1x64x128xf32, #tpu.memory_space<vmem>>
          %get3A_672 = arith.index_cast %get3A_666 : i32 to index
          %get3A_673 = arith.index_cast %scan3A_587 : i32 to index
          %get3A_674 = arith.constant 112 : index
          %get3A_675 = tpu.vector_load %get3A_671[%get3A_672, %get3A_673, %get3A_674] {strides = array<i32>} : memref<1x64x128xf32, #tpu.memory_space<vmem>>, vector<16xf32>,
          %mul3A_676 = arith.constant 1.600000e+01 : f32
          %mul3A_677 = vector.broadcast %mul3A_676 : f32 to vector<16xf32>
          %mul3A_678 = arith.mulf %get3A_605, %mul3A_677 : vector<16xf32>
          %mul3A_679 = arith.constant 1.600000e+01 : f32
          %mul3A_680 = vector.broadcast %mul3A_679 : f32 to vector<16xf32>
          %mul3A_681 = arith.mulf %get3A_615, %mul3A_680 : vector<16xf32>
          %mul3A_682 = arith.constant 1.600000e+01 : f32
          %mul3A_683 = vector.broadcast %mul3A_682 : f32 to vector<16xf32>
          %mul3A_684 = arith.mulf %get3A_625, %mul3A_683 : vector<16xf32>
          %mul3A_685 = arith.constant 1.600000e+01 : f32
          %mul3A_686 = vector.broadcast %mul3A_685 : f32 to vector<16xf32>
          %mul3A_687 = arith.mulf %get3A_635, %mul3A_686 : vector<16xf32>
          %mul3A_688 = arith.constant 1.600000e+01 : f32
          %mul3A_689 = vector.broadcast %mul3A_688 : f32 to vector<16xf32>
          %mul3A_690 = arith.mulf %get3A_645, %mul3A_689 : vector<16xf32>
          %mul3A_691 = arith.constant 1.600000e+01 : f32
          %mul3A_692 = vector.broadcast %mul3A_691 : f32 to vector<16xf32>
          %mul3A_693 = arith.mulf %get3A_655, %mul3A_692 : vector<16xf32>
          %mul3A_694 = arith.constant 1.600000e+01 : f32
          %mul3A_695 = vector.broadcast %mul3A_694 : f32 to vector<16xf32>
          %mul3A_696 = arith.mulf %get3A_665, %mul3A_695 : vector<16xf32>
          %mul3A_697 = arith.constant 1.600000e+01 : f32
          %mul3A_698 = vector.broadcast %mul3A_697 : f32 to vector<16xf32>
          %mul3A_699 = arith.mulf %get3A_675, %mul3A_698 : vector<16xf32>
          %max3A = arith.constant -1.280000e+02 : f32
          %max3A_700 = vector.broadcast %max3A : f32 to vector<16xf32>
          %max3A_701 = arith.maximumf %mul3A_678, %max3A_700 : vector<16xf32>
          %max3A_702 = arith.constant -1.280000e+02 : f32
          %max3A_703 = vector.broadcast %max3A_702 : f32 to vector<16xf32>
          %max3A_704 = arith.maximumf %mul3A_681, %max3A_703 : vector<16xf32>
          %max3A_705 = arith.constant -1.280000e+02 : f32
          %max3A_706 = vector.broadcast %max3A_705 : f32 to vector<16xf32>
          %max3A_707 = arith.maximumf %mul3A_684, %max3A_706 : vector<16xf32>
          %max3A_708 = arith.constant -1.280000e+02 : f32
          %max3A_709 = vector.broadcast %max3A_708 : f32 to vector<16xf32>
          %max3A_710 = arith.maximumf %mul3A_687, %max3A_709 : vector<16xf32>
          %max3A_711 = arith.constant -1.280000e+02 : f32
          %max3A_712 = vector.broadcast %max3A_711 : f32 to vector<16xf32>
          %max3A_713 = arith.maximumf %mul3A_690, %max3A_712 : vector<16xf32>
          %max3A_714 = arith.constant -1.280000e+02 : f32
          %max3A_715 = vector.broadcast %max3A_714 : f32 to vector<16xf32>
          %max3A_716 = arith.maximumf %mul3A_693, %max3A_715 : vector<16xf32>
          %max3A_717 = arith.constant -1.280000e+02 : f32
          %max3A_718 = vector.broadcast %max3A_717 : f32 to vector<16xf32>
          %max3A_719 = arith.maximumf %mul3A_696, %max3A_718 : vector<16xf32>
          %max3A_720 = arith.constant -1.280000e+02 : f32
          %max3A_721 = vector.broadcast %max3A_720 : f32 to vector<16xf32>
          %max3A_722 = arith.maximumf %mul3A_699, %max3A_721 : vector<16xf32>
          %min3A_723 = arith.constant 1.270000e+02 : f32
          %min3A_724 = vector.broadcast %min3A_723 : f32 to vector<16xf32>
          %min3A_725 = arith.minimumf %max3A_701, %min3A_724 : vector<16xf32>
          %min3A_726 = arith.constant 1.270000e+02 : f32
          %min3A_727 = vector.broadcast %min3A_726 : f32 to vector<16xf32>
          %min3A_728 = arith.minimumf %max3A_704, %min3A_727 : vector<16xf32>
          %min3A_729 = arith.constant 1.270000e+02 : f32
          %min3A_730 = vector.broadcast %min3A_729 : f32 to vector<16xf32>
          %min3A_731 = arith.minimumf %max3A_707, %min3A_730 : vector<16xf32>
          %min3A_732 = arith.constant 1.270000e+02 : f32
          %min3A_733 = vector.broadcast %min3A_732 : f32 to vector<16xf32>
          %min3A_734 = arith.minimumf %max3A_710, %min3A_733 : vector<16xf32>
          %min3A_735 = arith.constant 1.270000e+02 : f32
          %min3A_736 = vector.broadcast %min3A_735 : f32 to vector<16xf32>
          %min3A_737 = arith.minimumf %max3A_713, %min3A_736 : vector<16xf32>
          %min3A_738 = arith.constant 1.270000e+02 : f32
          %min3A_739 = vector.broadcast %min3A_738 : f32 to vector<16xf32>
          %min3A_740 = arith.minimumf %max3A_716, %min3A_739 : vector<16xf32>
          %min3A_741 = arith.constant 1.270000e+02 : f32
          %min3A_742 = vector.broadcast %min3A_741 : f32 to vector<16xf32>
          %min3A_743 = arith.minimumf %max3A_719, %min3A_742 : vector<16xf32>
          %min3A_744 = arith.constant 1.270000e+02 : f32
          %min3A_745 = vector.broadcast %min3A_744 : f32 to vector<16xf32>
          %min3A_746 = arith.minimumf %max3A_722, %min3A_745 : vector<16xf32>
          %add3A_747 = arith.constant 0x4B400000 : f32
          %add3A_748 = vector.broadcast %add3A_747 : f32 to vector<16xf32>
          %add3A_749 = arith.addf %min3A_725, %add3A_748 : vector<16xf32>
          %add3A_750 = arith.constant 0x4B400000 : f32
          %add3A_751 = vector.broadcast %add3A_750 : f32 to vector<16xf32>
          %add3A_752 = arith.addf %min3A_728, %add3A_751 : vector<16xf32>
          %add3A_753 = arith.constant 0x4B400000 : f32
          %add3A_754 = vector.broadcast %add3A_753 : f32 to vector<16xf32>
          %add3A_755 = arith.addf %min3A_731, %add3A_754 : vector<16xf32>
          %add3A_756 = arith.constant 0x4B400000 : f32
          %add3A_757 = vector.broadcast %add3A_756 : f32 to vector<16xf32>
          %add3A_758 = arith.addf %min3A_734, %add3A_757 : vector<16xf32>
          %add3A_759 = arith.constant 0x4B400000 : f32
          %add3A_760 = vector.broadcast %add3A_759 : f32 to vector<16xf32>
          %add3A_761 = arith.addf %min3A_737, %add3A_760 : vector<16xf32>
          %add3A_762 = arith.constant 0x4B400000 : f32
          %add3A_763 = vector.broadcast %add3A_762 : f32 to vector<16xf32>
          %add3A_764 = arith.addf %min3A_740, %add3A_763 : vector<16xf32>
          %add3A_765 = arith.constant 0x4B400000 : f32
          %add3A_766 = vector.broadcast %add3A_765 : f32 to vector<16xf32>
          %add3A_767 = arith.addf %min3A_743, %add3A_766 : vector<16xf32>
          %add3A_768 = arith.constant 0x4B400000 : f32
          %add3A_769 = vector.broadcast %add3A_768 : f32 to vector<16xf32>
          %add3A_770 = arith.addf %min3A_746, %add3A_769 : vector<16xf32>
          %bitcast_convert_type3A = tpu.bitcast %add3A_749 : vector<16xf32> -> vector<16xi32>
          %and3A_771 = arith.constant 255 : i32
          %and3A_772 = vector.broadcast %and3A_771 : i32 to vector<16xi32>
          %and3A_773 = arith.andi %bitcast_convert_type3A, %and3A_772 : vector<16xi32>
          %bitcast_convert_type3A_774 = tpu.bitcast %add3A_752 : vector<16xf32> -> vector<16xi32>
          %and3A_775 = arith.constant 255 : i32
          %and3A_776 = vector.broadcast %and3A_775 : i32 to vector<16xi32>
          %and3A_777 = arith.andi %bitcast_convert_type3A_774, %and3A_776 : vector<16xi32>
          %bitcast_convert_type3A_778 = tpu.bitcast %add3A_755 : vector<16xf32> -> vector<16xi32>
          %and3A_779 = arith.constant 255 : i32
          %and3A_780 = vector.broadcast %and3A_779 : i32 to vector<16xi32>
          %and3A_781 = arith.andi %bitcast_convert_type3A_778, %and3A_780 : vector<16xi32>
          %bitcast_convert_type3A_782 = tpu.bitcast %add3A_758 : vector<16xf32> -> vector<16xi32>
          %and3A_783 = arith.constant 255 : i32
          %and3A_784 = vector.broadcast %and3A_783 : i32 to vector<16xi32>
          %and3A_785 = arith.andi %bitcast_convert_type3A_782, %and3A_784 : vector<16xi32>
          %bitcast_convert_type3A_786 = tpu.bitcast %add3A_761 : vector<16xf32> -> vector<16xi32>
          %and3A_787 = arith.constant 255 : i32
          %and3A_788 = vector.broadcast %and3A_787 : i32 to vector<16xi32>
          %and3A_789 = arith.andi %bitcast_convert_type3A_786, %and3A_788 : vector<16xi32>
          %bitcast_convert_type3A_790 = tpu.bitcast %add3A_764 : vector<16xf32> -> vector<16xi32>
          %and3A_791 = arith.constant 255 : i32
          %and3A_792 = vector.broadcast %and3A_791 : i32 to vector<16xi32>
          %and3A_793 = arith.andi %bitcast_convert_type3A_790, %and3A_792 : vector<16xi32>
          %bitcast_convert_type3A_794 = tpu.bitcast %add3A_767 : vector<16xf32> -> vector<16xi32>
          %and3A_795 = arith.constant 255 : i32
          %and3A_796 = vector.broadcast %and3A_795 : i32 to vector<16xi32>
          %and3A_797 = arith.andi %bitcast_convert_type3A_794, %and3A_796 : vector<16xi32>
          %bitcast_convert_type3A_798 = tpu.bitcast %add3A_770 : vector<16xf32> -> vector<16xi32>
          %and3A_799 = arith.constant 255 : i32
          %and3A_800 = vector.broadcast %and3A_799 : i32 to vector<16xi32>
          %and3A_801 = arith.andi %bitcast_convert_type3A_798, %and3A_800 : vector<16xi32>
          %swap3A_802 = arith.index_cast %scan3A_587 : i32 to index
          %swap3A_803 = arith.constant 0 : index
          %swap3A_804 = tpu.vector_load %arg8[%swap3A_802, %swap3A_803] {strides = array<i32>} : memref<64x128xi32, #tpu.memory_space<vmem>>, vector<16xi32>,
          tpu.vector_store %arg8[%swap3A_802, %swap3A_803], %and3A_773 {strides = array<i32>} : memref<64x128xi32, #tpu.memory_space<vmem>>, vector<16xi32>,
          %swap3A_805 = arith.index_cast %scan3A_587 : i32 to index
          %swap3A_806 = arith.constant 16 : index
          %swap3A_807 = tpu.vector_load %arg8[%swap3A_805, %swap3A_806] {strides = array<i32>} : memref<64x128xi32, #tpu.memory_space<vmem>>, vector<16xi32>,
          tpu.vector_store %arg8[%swap3A_805, %swap3A_806], %and3A_777 {strides = array<i32>} : memref<64x128xi32, #tpu.memory_space<vmem>>, vector<16xi32>,
          %swap3A_808 = arith.index_cast %scan3A_587 : i32 to index
          %swap3A_809 = arith.constant 32 : index
          %swap3A_810 = tpu.vector_load %arg8[%swap3A_808, %swap3A_809] {strides = array<i32>} : memref<64x128xi32, #tpu.memory_space<vmem>>, vector<16xi32>,
          tpu.vector_store %arg8[%swap3A_808, %swap3A_809], %and3A_781 {strides = array<i32>} : memref<64x128xi32, #tpu.memory_space<vmem>>, vector<16xi32>,
          %swap3A_811 = arith.index_cast %scan3A_587 : i32 to index
          %swap3A_812 = arith.constant 48 : index
          %swap3A_813 = tpu.vector_load %arg8[%swap3A_811, %swap3A_812] {strides = array<i32>} : memref<64x128xi32, #tpu.memory_space<vmem>>, vector<16xi32>,
          tpu.vector_store %arg8[%swap3A_811, %swap3A_812], %and3A_785 {strides = array<i32>} : memref<64x128xi32, #tpu.memory_space<vmem>>, vector<16xi32>,
          %swap3A_814 = arith.index_cast %scan3A_587 : i32 to index
          %swap3A_815 = arith.constant 64 : index
          %swap3A_816 = tpu.vector_load %arg8[%swap3A_814, %swap3A_815] {strides = array<i32>} : memref<64x128xi32, #tpu.memory_space<vmem>>, vector<16xi32>,
          tpu.vector_store %arg8[%swap3A_814, %swap3A_815], %and3A_789 {strides = array<i32>} : memref<64x128xi32, #tpu.memory_space<vmem>>, vector<16xi32>,
          %swap3A_817 = arith.index_cast %scan3A_587 : i32 to index
          %swap3A_818 = arith.constant 80 : index
          %swap3A_819 = tpu.vector_load %arg8[%swap3A_817, %swap3A_818] {strides = array<i32>} : memref<64x128xi32, #tpu.memory_space<vmem>>, vector<16xi32>,
          tpu.vector_store %arg8[%swap3A_817, %swap3A_818], %and3A_793 {strides = array<i32>} : memref<64x128xi32, #tpu.memory_space<vmem>>, vector<16xi32>,
          %swap3A_820 = arith.index_cast %scan3A_587 : i32 to index
          %swap3A_821 = arith.constant 96 : index
          %swap3A_822 = tpu.vector_load %arg8[%swap3A_820, %swap3A_821] {strides = array<i32>} : memref<64x128xi32, #tpu.memory_space<vmem>>, vector<16xi32>,
          tpu.vector_store %arg8[%swap3A_820, %swap3A_821], %and3A_797 {strides = array<i32>} : memref<64x128xi32, #tpu.memory_space<vmem>>, vector<16xi32>,
          %swap3A_823 = arith.index_cast %scan3A_587 : i32 to index
          %swap3A_824 = arith.constant 112 : index
          %swap3A_825 = tpu.vector_load %arg8[%swap3A_823, %swap3A_824] {strides = array<i32>} : memref<64x128xi32, #tpu.memory_space<vmem>>, vector<16xi32>,
          tpu.vector_store %arg8[%swap3A_823, %swap3A_824], %and3A_801 {strides = array<i32>} : memref<64x128xi32, #tpu.memory_space<vmem>>, vector<16xi32>,
          %gather3A_826 = tpu.vector_load_idx %arg6[%and3A_773] : memref<256xf32, #tpu.memory_space<vmem>>[vector<16xi32>], vector<16xf32>,
          %gather3A_827 = tpu.vector_load_idx %arg6[%and3A_777] : memref<256xf32, #tpu.memory_space<vmem>>[vector<16xi32>], vector<16xf32>,
          %gather3A_828 = tpu.vector_load_idx %arg6[%and3A_781] : memref<256xf32, #tpu.memory_space<vmem>>[vector<16xi32>], vector<16xf32>,
          %gather3A_829 = tpu.vector_load_idx %arg6[%and3A_785] : memref<256xf32, #tpu.memory_space<vmem>>[vector<16xi32>], vector<16xf32>,
          %gather3A_830 = tpu.vector_load_idx %arg6[%and3A_789] : memref<256xf32, #tpu.memory_space<vmem>>[vector<16xi32>], vector<16xf32>,
          %gather3A_831 = tpu.vector_load_idx %arg6[%and3A_793] : memref<256xf32, #tpu.memory_space<vmem>>[vector<16xi32>], vector<16xf32>,
          %gather3A_832 = tpu.vector_load_idx %arg6[%and3A_797] : memref<256xf32, #tpu.memory_space<vmem>>[vector<16xi32>], vector<16xf32>,
          %gather3A_833 = tpu.vector_load_idx %arg6[%and3A_801] : memref<256xf32, #tpu.memory_space<vmem>>[vector<16xi32>], vector<16xf32>,
          %add3A_834 = arith.addf %scan3A_588, %gather3A_826 : vector<16xf32>
          %add3A_835 = arith.addf %scan3A_589, %gather3A_827 : vector<16xf32>
          %add3A_836 = arith.addf %scan3A_590, %gather3A_828 : vector<16xf32>
          %add3A_837 = arith.addf %scan3A_591, %gather3A_829 : vector<16xf32>
          %add3A_838 = arith.addf %scan3A_592, %gather3A_830 : vector<16xf32>
          %add3A_839 = arith.addf %scan3A_593, %gather3A_831 : vector<16xf32>
          %add3A_840 = arith.addf %scan3A_594, %gather3A_832 : vector<16xf32>
          %add3A_841 = arith.addf %scan3A_595, %gather3A_833 : vector<16xf32>
          scf.yield %add3A_834, %add3A_835, %add3A_836, %add3A_837, %add3A_838, %add3A_839, %add3A_840, %add3A_841 : vector<16xf32>, vector<16xf32>, vector<16xf32>, vector<16xf32>, vector<16xf32>, vector<16xf32>, vector<16xf32>, vector<16xf32>
        }
        %scan3A_224 = arith.constant 64 : i32
        %add3A_225 = arith.addf %scan3A_223#0, %scan3A_223#1 : vector<16xf32>
        %add3A_226 = arith.addf %add3A_225, %scan3A_223#2 : vector<16xf32>
        %add3A_227 = arith.addf %add3A_226, %scan3A_223#3 : vector<16xf32>
        %add3A_228 = arith.addf %add3A_227, %scan3A_223#4 : vector<16xf32>
        %add3A_229 = arith.addf %add3A_228, %scan3A_223#5 : vector<16xf32>
        %add3A_230 = arith.addf %add3A_229, %scan3A_223#6 : vector<16xf32>
        %add3A_231 = arith.addf %add3A_230, %scan3A_223#7 : vector<16xf32>
        %reduce_sum3A = arith.constant true
        %reduce_sum3A_232 = vector.broadcast %reduce_sum3A : i1 to vector<16xi1>
        %reduce_sum3A_233 = tpu.scan <sum>, %add3A_231 masked %reduce_sum3A_232 : vector<16xf32>, vector<16xi1> -> vector<16xf32>
        %reduce_sum3A_234 = vector.extract %reduce_sum3A_233[15] : f32 from vector<16xf32>
        %get3A = arith.constant 0 : index
        %get3A_235 = tpu.vector_load %arg6[%get3A] {strides = array<i32>} : memref<256xf32, #tpu.memory_space<vmem>>, vector<16xf32>,
        %div3A = vector.broadcast %reduce_sum3A_234 : f32 to vector<16xf32>
        %div3A_236 = arith.divf %div3A, %get3A_235 : vector<16xf32>
        %min3A = arith.constant 1.023000e+03 : f32
        %min3A_237 = vector.broadcast %min3A : f32 to vector<16xf32>
        %min3A_238 = arith.minimumf %div3A_236, %min3A_237 : vector<16xf32>
        %convert_element_type3A_239 = arith.fptosi %min3A_238 : vector<16xf32> to vector<16xi32>
        %eq3A_240 = arith.constant 0.000000e+00 : f32
        %eq3A_241 = vector.broadcast %eq3A_240 : f32 to vector<16xf32>
        %eq3A_242 = arith.cmpf oeq, %get3A_235, %eq3A_241 : vector<16xf32>
        %jit3A = arith.constant 1023 : i32
        %broadcast_in_dim3A_243 = vector.broadcast %jit3A : i32 to vector<16xi32>
        %select_n3A_244 = arith.select %eq3A_242, %broadcast_in_dim3A_243, %convert_element_type3A_239 : vector<16xi1>, vector<16xi32>
        %gather3A = tpu.vector_load_idx %arg7[%select_n3A_244] : memref<1024xf32, #tpu.memory_space<vmem>>[vector<16xi32>], vector<16xf32>,
        %swap3A = arith.constant 0 : index
        %swap3A_245 = tpu.vector_load %arg9[%swap3A] {strides = array<i32>} : memref<256xf32, #tpu.memory_space<vmem>>, vector<16xf32>,
        tpu.vector_store %arg9[%swap3A], %gather3A {strides = array<i32>} : memref<256xf32, #tpu.memory_space<vmem>>, vector<16xf32>,
        %get3A_246 = arith.constant 16 : index
        %get3A_247 = tpu.vector_load %arg6[%get3A_246] {strides = array<i32>} : memref<256xf32, #tpu.memory_space<vmem>>, vector<16xf32>,
        %div3A_248 = vector.broadcast %reduce_sum3A_234 : f32 to vector<16xf32>
        %div3A_249 = arith.divf %div3A_248, %get3A_247 : vector<16xf32>
        %min3A_250 = arith.constant 1.023000e+03 : f32
        %min3A_251 = vector.broadcast %min3A_250 : f32 to vector<16xf32>
        %min3A_252 = arith.minimumf %div3A_249, %min3A_251 : vector<16xf32>
        %convert_element_type3A_253 = arith.fptosi %min3A_252 : vector<16xf32> to vector<16xi32>
        %eq3A_254 = arith.constant 0.000000e+00 : f32
        %eq3A_255 = vector.broadcast %eq3A_254 : f32 to vector<16xf32>
        %eq3A_256 = arith.cmpf oeq, %get3A_247, %eq3A_255 : vector<16xf32>
        %jit3A_257 = arith.constant 1023 : i32
        %broadcast_in_dim3A_258 = vector.broadcast %jit3A_257 : i32 to vector<16xi32>
        %select_n3A_259 = arith.select %eq3A_256, %broadcast_in_dim3A_258, %convert_element_type3A_253 : vector<16xi1>, vector<16xi32>
        %gather3A_260 = tpu.vector_load_idx %arg7[%select_n3A_259] : memref<1024xf32, #tpu.memory_space<vmem>>[vector<16xi32>], vector<16xf32>,
        %swap3A_261 = arith.constant 16 : index
        %swap3A_262 = tpu.vector_load %arg9[%swap3A_261] {strides = array<i32>} : memref<256xf32, #tpu.memory_space<vmem>>, vector<16xf32>,
        tpu.vector_store %arg9[%swap3A_261], %gather3A_260 {strides = array<i32>} : memref<256xf32, #tpu.memory_space<vmem>>, vector<16xf32>,
        %get3A_263 = arith.constant 32 : index
        %get3A_264 = tpu.vector_load %arg6[%get3A_263] {strides = array<i32>} : memref<256xf32, #tpu.memory_space<vmem>>, vector<16xf32>,
        %div3A_265 = vector.broadcast %reduce_sum3A_234 : f32 to vector<16xf32>
        %div3A_266 = arith.divf %div3A_265, %get3A_264 : vector<16xf32>
        %min3A_267 = arith.constant 1.023000e+03 : f32
        %min3A_268 = vector.broadcast %min3A_267 : f32 to vector<16xf32>
        %min3A_269 = arith.minimumf %div3A_266, %min3A_268 : vector<16xf32>
        %convert_element_type3A_270 = arith.fptosi %min3A_269 : vector<16xf32> to vector<16xi32>
        %eq3A_271 = arith.constant 0.000000e+00 : f32
        %eq3A_272 = vector.broadcast %eq3A_271 : f32 to vector<16xf32>
        %eq3A_273 = arith.cmpf oeq, %get3A_264, %eq3A_272 : vector<16xf32>
        %jit3A_274 = arith.constant 1023 : i32
        %broadcast_in_dim3A_275 = vector.broadcast %jit3A_274 : i32 to vector<16xi32>
        %select_n3A_276 = arith.select %eq3A_273, %broadcast_in_dim3A_275, %convert_element_type3A_270 : vector<16xi1>, vector<16xi32>
        %gather3A_277 = tpu.vector_load_idx %arg7[%select_n3A_276] : memref<1024xf32, #tpu.memory_space<vmem>>[vector<16xi32>], vector<16xf32>,
        %swap3A_278 = arith.constant 32 : index
        %swap3A_279 = tpu.vector_load %arg9[%swap3A_278] {strides = array<i32>} : memref<256xf32, #tpu.memory_space<vmem>>, vector<16xf32>,
        tpu.vector_store %arg9[%swap3A_278], %gather3A_277 {strides = array<i32>} : memref<256xf32, #tpu.memory_space<vmem>>, vector<16xf32>,
        %get3A_280 = arith.constant 48 : index
        %get3A_281 = tpu.vector_load %arg6[%get3A_280] {strides = array<i32>} : memref<256xf32, #tpu.memory_space<vmem>>, vector<16xf32>,
        %div3A_282 = vector.broadcast %reduce_sum3A_234 : f32 to vector<16xf32>
        %div3A_283 = arith.divf %div3A_282, %get3A_281 : vector<16xf32>
        %min3A_284 = arith.constant 1.023000e+03 : f32
        %min3A_285 = vector.broadcast %min3A_284 : f32 to vector<16xf32>
        %min3A_286 = arith.minimumf %div3A_283, %min3A_285 : vector<16xf32>
        %convert_element_type3A_287 = arith.fptosi %min3A_286 : vector<16xf32> to vector<16xi32>
        %eq3A_288 = arith.constant 0.000000e+00 : f32
        %eq3A_289 = vector.broadcast %eq3A_288 : f32 to vector<16xf32>
        %eq3A_290 = arith.cmpf oeq, %get3A_281, %eq3A_289 : vector<16xf32>
        %jit3A_291 = arith.constant 1023 : i32
        %broadcast_in_dim3A_292 = vector.broadcast %jit3A_291 : i32 to vector<16xi32>
        %select_n3A_293 = arith.select %eq3A_290, %broadcast_in_dim3A_292, %convert_element_type3A_287 : vector<16xi1>, vector<16xi32>
        %gather3A_294 = tpu.vector_load_idx %arg7[%select_n3A_293] : memref<1024xf32, #tpu.memory_space<vmem>>[vector<16xi32>], vector<16xf32>,
        %swap3A_295 = arith.constant 48 : index
        %swap3A_296 = tpu.vector_load %arg9[%swap3A_295] {strides = array<i32>} : memref<256xf32, #tpu.memory_space<vmem>>, vector<16xf32>,
        tpu.vector_store %arg9[%swap3A_295], %gather3A_294 {strides = array<i32>} : memref<256xf32, #tpu.memory_space<vmem>>, vector<16xf32>,
        %get3A_297 = arith.constant 64 : index
        %get3A_298 = tpu.vector_load %arg6[%get3A_297] {strides = array<i32>} : memref<256xf32, #tpu.memory_space<vmem>>, vector<16xf32>,
        %div3A_299 = vector.broadcast %reduce_sum3A_234 : f32 to vector<16xf32>
        %div3A_300 = arith.divf %div3A_299, %get3A_298 : vector<16xf32>
        %min3A_301 = arith.constant 1.023000e+03 : f32
        %min3A_302 = vector.broadcast %min3A_301 : f32 to vector<16xf32>
        %min3A_303 = arith.minimumf %div3A_300, %min3A_302 : vector<16xf32>
        %convert_element_type3A_304 = arith.fptosi %min3A_303 : vector<16xf32> to vector<16xi32>
        %eq3A_305 = arith.constant 0.000000e+00 : f32
        %eq3A_306 = vector.broadcast %eq3A_305 : f32 to vector<16xf32>
        %eq3A_307 = arith.cmpf oeq, %get3A_298, %eq3A_306 : vector<16xf32>
        %jit3A_308 = arith.constant 1023 : i32
        %broadcast_in_dim3A_309 = vector.broadcast %jit3A_308 : i32 to vector<16xi32>
        %select_n3A_310 = arith.select %eq3A_307, %broadcast_in_dim3A_309, %convert_element_type3A_304 : vector<16xi1>, vector<16xi32>
        %gather3A_311 = tpu.vector_load_idx %arg7[%select_n3A_310] : memref<1024xf32, #tpu.memory_space<vmem>>[vector<16xi32>], vector<16xf32>,
        %swap3A_312 = arith.constant 64 : index
        %swap3A_313 = tpu.vector_load %arg9[%swap3A_312] {strides = array<i32>} : memref<256xf32, #tpu.memory_space<vmem>>, vector<16xf32>,
        tpu.vector_store %arg9[%swap3A_312], %gather3A_311 {strides = array<i32>} : memref<256xf32, #tpu.memory_space<vmem>>, vector<16xf32>,
        %get3A_314 = arith.constant 80 : index
        %get3A_315 = tpu.vector_load %arg6[%get3A_314] {strides = array<i32>} : memref<256xf32, #tpu.memory_space<vmem>>, vector<16xf32>,
        %div3A_316 = vector.broadcast %reduce_sum3A_234 : f32 to vector<16xf32>
        %div3A_317 = arith.divf %div3A_316, %get3A_315 : vector<16xf32>
        %min3A_318 = arith.constant 1.023000e+03 : f32
        %min3A_319 = vector.broadcast %min3A_318 : f32 to vector<16xf32>
        %min3A_320 = arith.minimumf %div3A_317, %min3A_319 : vector<16xf32>
        %convert_element_type3A_321 = arith.fptosi %min3A_320 : vector<16xf32> to vector<16xi32>
        %eq3A_322 = arith.constant 0.000000e+00 : f32
        %eq3A_323 = vector.broadcast %eq3A_322 : f32 to vector<16xf32>
        %eq3A_324 = arith.cmpf oeq, %get3A_315, %eq3A_323 : vector<16xf32>
        %jit3A_325 = arith.constant 1023 : i32
        %broadcast_in_dim3A_326 = vector.broadcast %jit3A_325 : i32 to vector<16xi32>
        %select_n3A_327 = arith.select %eq3A_324, %broadcast_in_dim3A_326, %convert_element_type3A_321 : vector<16xi1>, vector<16xi32>
        %gather3A_328 = tpu.vector_load_idx %arg7[%select_n3A_327] : memref<1024xf32, #tpu.memory_space<vmem>>[vector<16xi32>], vector<16xf32>,
        %swap3A_329 = arith.constant 80 : index
        %swap3A_330 = tpu.vector_load %arg9[%swap3A_329] {strides = array<i32>} : memref<256xf32, #tpu.memory_space<vmem>>, vector<16xf32>,
        tpu.vector_store %arg9[%swap3A_329], %gather3A_328 {strides = array<i32>} : memref<256xf32, #tpu.memory_space<vmem>>, vector<16xf32>,
        %get3A_331 = arith.constant 96 : index
        %get3A_332 = tpu.vector_load %arg6[%get3A_331] {strides = array<i32>} : memref<256xf32, #tpu.memory_space<vmem>>, vector<16xf32>,
        %div3A_333 = vector.broadcast %reduce_sum3A_234 : f32 to vector<16xf32>
        %div3A_334 = arith.divf %div3A_333, %get3A_332 : vector<16xf32>
        %min3A_335 = arith.constant 1.023000e+03 : f32
        %min3A_336 = vector.broadcast %min3A_335 : f32 to vector<16xf32>
        %min3A_337 = arith.minimumf %div3A_334, %min3A_336 : vector<16xf32>
        %convert_element_type3A_338 = arith.fptosi %min3A_337 : vector<16xf32> to vector<16xi32>
        %eq3A_339 = arith.constant 0.000000e+00 : f32
        %eq3A_340 = vector.broadcast %eq3A_339 : f32 to vector<16xf32>
        %eq3A_341 = arith.cmpf oeq, %get3A_332, %eq3A_340 : vector<16xf32>
        %jit3A_342 = arith.constant 1023 : i32
        %broadcast_in_dim3A_343 = vector.broadcast %jit3A_342 : i32 to vector<16xi32>
        %select_n3A_344 = arith.select %eq3A_341, %broadcast_in_dim3A_343, %convert_element_type3A_338 : vector<16xi1>, vector<16xi32>
        %gather3A_345 = tpu.vector_load_idx %arg7[%select_n3A_344] : memref<1024xf32, #tpu.memory_space<vmem>>[vector<16xi32>], vector<16xf32>,
        %swap3A_346 = arith.constant 96 : index
        %swap3A_347 = tpu.vector_load %arg9[%swap3A_346] {strides = array<i32>} : memref<256xf32, #tpu.memory_space<vmem>>, vector<16xf32>,
        tpu.vector_store %arg9[%swap3A_346], %gather3A_345 {strides = array<i32>} : memref<256xf32, #tpu.memory_space<vmem>>, vector<16xf32>,
        %get3A_348 = arith.constant 112 : index
        %get3A_349 = tpu.vector_load %arg6[%get3A_348] {strides = array<i32>} : memref<256xf32, #tpu.memory_space<vmem>>, vector<16xf32>,
        %div3A_350 = vector.broadcast %reduce_sum3A_234 : f32 to vector<16xf32>
        %div3A_351 = arith.divf %div3A_350, %get3A_349 : vector<16xf32>
        %min3A_352 = arith.constant 1.023000e+03 : f32
        %min3A_353 = vector.broadcast %min3A_352 : f32 to vector<16xf32>
        %min3A_354 = arith.minimumf %div3A_351, %min3A_353 : vector<16xf32>
        %convert_element_type3A_355 = arith.fptosi %min3A_354 : vector<16xf32> to vector<16xi32>
        %eq3A_356 = arith.constant 0.000000e+00 : f32
        %eq3A_357 = vector.broadcast %eq3A_356 : f32 to vector<16xf32>
        %eq3A_358 = arith.cmpf oeq, %get3A_349, %eq3A_357 : vector<16xf32>
        %jit3A_359 = arith.constant 1023 : i32
        %broadcast_in_dim3A_360 = vector.broadcast %jit3A_359 : i32 to vector<16xi32>
        %select_n3A_361 = arith.select %eq3A_358, %broadcast_in_dim3A_360, %convert_element_type3A_355 : vector<16xi1>, vector<16xi32>
        %gather3A_362 = tpu.vector_load_idx %arg7[%select_n3A_361] : memref<1024xf32, #tpu.memory_space<vmem>>[vector<16xi32>], vector<16xf32>,
        %swap3A_363 = arith.constant 112 : index
        %swap3A_364 = tpu.vector_load %arg9[%swap3A_363] {strides = array<i32>} : memref<256xf32, #tpu.memory_space<vmem>>, vector<16xf32>,
        tpu.vector_store %arg9[%swap3A_363], %gather3A_362 {strides = array<i32>} : memref<256xf32, #tpu.memory_space<vmem>>, vector<16xf32>,
        %get3A_365 = arith.constant 128 : index
        %get3A_366 = tpu.vector_load %arg6[%get3A_365] {strides = array<i32>} : memref<256xf32, #tpu.memory_space<vmem>>, vector<16xf32>,
        %div3A_367 = vector.broadcast %reduce_sum3A_234 : f32 to vector<16xf32>
        %div3A_368 = arith.divf %div3A_367, %get3A_366 : vector<16xf32>
        %min3A_369 = arith.constant 1.023000e+03 : f32
        %min3A_370 = vector.broadcast %min3A_369 : f32 to vector<16xf32>
        %min3A_371 = arith.minimumf %div3A_368, %min3A_370 : vector<16xf32>
        %convert_element_type3A_372 = arith.fptosi %min3A_371 : vector<16xf32> to vector<16xi32>
        %eq3A_373 = arith.constant 0.000000e+00 : f32
        %eq3A_374 = vector.broadcast %eq3A_373 : f32 to vector<16xf32>
        %eq3A_375 = arith.cmpf oeq, %get3A_366, %eq3A_374 : vector<16xf32>
        %jit3A_376 = arith.constant 1023 : i32
        %broadcast_in_dim3A_377 = vector.broadcast %jit3A_376 : i32 to vector<16xi32>
        %select_n3A_378 = arith.select %eq3A_375, %broadcast_in_dim3A_377, %convert_element_type3A_372 : vector<16xi1>, vector<16xi32>
        %gather3A_379 = tpu.vector_load_idx %arg7[%select_n3A_378] : memref<1024xf32, #tpu.memory_space<vmem>>[vector<16xi32>], vector<16xf32>,
        %swap3A_380 = arith.constant 128 : index
        %swap3A_381 = tpu.vector_load %arg9[%swap3A_380] {strides = array<i32>} : memref<256xf32, #tpu.memory_space<vmem>>, vector<16xf32>,
        tpu.vector_store %arg9[%swap3A_380], %gather3A_379 {strides = array<i32>} : memref<256xf32, #tpu.memory_space<vmem>>, vector<16xf32>,
        %get3A_382 = arith.constant 144 : index
        %get3A_383 = tpu.vector_load %arg6[%get3A_382] {strides = array<i32>} : memref<256xf32, #tpu.memory_space<vmem>>, vector<16xf32>,
        %div3A_384 = vector.broadcast %reduce_sum3A_234 : f32 to vector<16xf32>
        %div3A_385 = arith.divf %div3A_384, %get3A_383 : vector<16xf32>
        %min3A_386 = arith.constant 1.023000e+03 : f32
        %min3A_387 = vector.broadcast %min3A_386 : f32 to vector<16xf32>
        %min3A_388 = arith.minimumf %div3A_385, %min3A_387 : vector<16xf32>
        %convert_element_type3A_389 = arith.fptosi %min3A_388 : vector<16xf32> to vector<16xi32>
        %eq3A_390 = arith.constant 0.000000e+00 : f32
        %eq3A_391 = vector.broadcast %eq3A_390 : f32 to vector<16xf32>
        %eq3A_392 = arith.cmpf oeq, %get3A_383, %eq3A_391 : vector<16xf32>
        %jit3A_393 = arith.constant 1023 : i32
        %broadcast_in_dim3A_394 = vector.broadcast %jit3A_393 : i32 to vector<16xi32>
        %select_n3A_395 = arith.select %eq3A_392, %broadcast_in_dim3A_394, %convert_element_type3A_389 : vector<16xi1>, vector<16xi32>
        %gather3A_396 = tpu.vector_load_idx %arg7[%select_n3A_395] : memref<1024xf32, #tpu.memory_space<vmem>>[vector<16xi32>], vector<16xf32>,
        %swap3A_397 = arith.constant 144 : index
        %swap3A_398 = tpu.vector_load %arg9[%swap3A_397] {strides = array<i32>} : memref<256xf32, #tpu.memory_space<vmem>>, vector<16xf32>,
        tpu.vector_store %arg9[%swap3A_397], %gather3A_396 {strides = array<i32>} : memref<256xf32, #tpu.memory_space<vmem>>, vector<16xf32>,
        %get3A_399 = arith.constant 160 : index
        %get3A_400 = tpu.vector_load %arg6[%get3A_399] {strides = array<i32>} : memref<256xf32, #tpu.memory_space<vmem>>, vector<16xf32>,
        %div3A_401 = vector.broadcast %reduce_sum3A_234 : f32 to vector<16xf32>
        %div3A_402 = arith.divf %div3A_401, %get3A_400 : vector<16xf32>
        %min3A_403 = arith.constant 1.023000e+03 : f32
        %min3A_404 = vector.broadcast %min3A_403 : f32 to vector<16xf32>
        %min3A_405 = arith.minimumf %div3A_402, %min3A_404 : vector<16xf32>
        %convert_element_type3A_406 = arith.fptosi %min3A_405 : vector<16xf32> to vector<16xi32>
        %eq3A_407 = arith.constant 0.000000e+00 : f32
        %eq3A_408 = vector.broadcast %eq3A_407 : f32 to vector<16xf32>
        %eq3A_409 = arith.cmpf oeq, %get3A_400, %eq3A_408 : vector<16xf32>
        %jit3A_410 = arith.constant 1023 : i32
        %broadcast_in_dim3A_411 = vector.broadcast %jit3A_410 : i32 to vector<16xi32>
        %select_n3A_412 = arith.select %eq3A_409, %broadcast_in_dim3A_411, %convert_element_type3A_406 : vector<16xi1>, vector<16xi32>
        %gather3A_413 = tpu.vector_load_idx %arg7[%select_n3A_412] : memref<1024xf32, #tpu.memory_space<vmem>>[vector<16xi32>], vector<16xf32>,
        %swap3A_414 = arith.constant 160 : index
        %swap3A_415 = tpu.vector_load %arg9[%swap3A_414] {strides = array<i32>} : memref<256xf32, #tpu.memory_space<vmem>>, vector<16xf32>,
        tpu.vector_store %arg9[%swap3A_414], %gather3A_413 {strides = array<i32>} : memref<256xf32, #tpu.memory_space<vmem>>, vector<16xf32>,
        %get3A_416 = arith.constant 176 : index
        %get3A_417 = tpu.vector_load %arg6[%get3A_416] {strides = array<i32>} : memref<256xf32, #tpu.memory_space<vmem>>, vector<16xf32>,
        %div3A_418 = vector.broadcast %reduce_sum3A_234 : f32 to vector<16xf32>
        %div3A_419 = arith.divf %div3A_418, %get3A_417 : vector<16xf32>
        %min3A_420 = arith.constant 1.023000e+03 : f32
        %min3A_421 = vector.broadcast %min3A_420 : f32 to vector<16xf32>
        %min3A_422 = arith.minimumf %div3A_419, %min3A_421 : vector<16xf32>
        %convert_element_type3A_423 = arith.fptosi %min3A_422 : vector<16xf32> to vector<16xi32>
        %eq3A_424 = arith.constant 0.000000e+00 : f32
        %eq3A_425 = vector.broadcast %eq3A_424 : f32 to vector<16xf32>
        %eq3A_426 = arith.cmpf oeq, %get3A_417, %eq3A_425 : vector<16xf32>
        %jit3A_427 = arith.constant 1023 : i32
        %broadcast_in_dim3A_428 = vector.broadcast %jit3A_427 : i32 to vector<16xi32>
        %select_n3A_429 = arith.select %eq3A_426, %broadcast_in_dim3A_428, %convert_element_type3A_423 : vector<16xi1>, vector<16xi32>
        %gather3A_430 = tpu.vector_load_idx %arg7[%select_n3A_429] : memref<1024xf32, #tpu.memory_space<vmem>>[vector<16xi32>], vector<16xf32>,
        %swap3A_431 = arith.constant 176 : index
        %swap3A_432 = tpu.vector_load %arg9[%swap3A_431] {strides = array<i32>} : memref<256xf32, #tpu.memory_space<vmem>>, vector<16xf32>,
        tpu.vector_store %arg9[%swap3A_431], %gather3A_430 {strides = array<i32>} : memref<256xf32, #tpu.memory_space<vmem>>, vector<16xf32>,
        %get3A_433 = arith.constant 192 : index
        %get3A_434 = tpu.vector_load %arg6[%get3A_433] {strides = array<i32>} : memref<256xf32, #tpu.memory_space<vmem>>, vector<16xf32>,
        %div3A_435 = vector.broadcast %reduce_sum3A_234 : f32 to vector<16xf32>
        %div3A_436 = arith.divf %div3A_435, %get3A_434 : vector<16xf32>
        %min3A_437 = arith.constant 1.023000e+03 : f32
        %min3A_438 = vector.broadcast %min3A_437 : f32 to vector<16xf32>
        %min3A_439 = arith.minimumf %div3A_436, %min3A_438 : vector<16xf32>
        %convert_element_type3A_440 = arith.fptosi %min3A_439 : vector<16xf32> to vector<16xi32>
        %eq3A_441 = arith.constant 0.000000e+00 : f32
        %eq3A_442 = vector.broadcast %eq3A_441 : f32 to vector<16xf32>
        %eq3A_443 = arith.cmpf oeq, %get3A_434, %eq3A_442 : vector<16xf32>
        %jit3A_444 = arith.constant 1023 : i32
        %broadcast_in_dim3A_445 = vector.broadcast %jit3A_444 : i32 to vector<16xi32>
        %select_n3A_446 = arith.select %eq3A_443, %broadcast_in_dim3A_445, %convert_element_type3A_440 : vector<16xi1>, vector<16xi32>
        %gather3A_447 = tpu.vector_load_idx %arg7[%select_n3A_446] : memref<1024xf32, #tpu.memory_space<vmem>>[vector<16xi32>], vector<16xf32>,
        %swap3A_448 = arith.constant 192 : index
        %swap3A_449 = tpu.vector_load %arg9[%swap3A_448] {strides = array<i32>} : memref<256xf32, #tpu.memory_space<vmem>>, vector<16xf32>,
        tpu.vector_store %arg9[%swap3A_448], %gather3A_447 {strides = array<i32>} : memref<256xf32, #tpu.memory_space<vmem>>, vector<16xf32>,
        %get3A_450 = arith.constant 208 : index
        %get3A_451 = tpu.vector_load %arg6[%get3A_450] {strides = array<i32>} : memref<256xf32, #tpu.memory_space<vmem>>, vector<16xf32>,
        %div3A_452 = vector.broadcast %reduce_sum3A_234 : f32 to vector<16xf32>
        %div3A_453 = arith.divf %div3A_452, %get3A_451 : vector<16xf32>
        %min3A_454 = arith.constant 1.023000e+03 : f32
        %min3A_455 = vector.broadcast %min3A_454 : f32 to vector<16xf32>
        %min3A_456 = arith.minimumf %div3A_453, %min3A_455 : vector<16xf32>
        %convert_element_type3A_457 = arith.fptosi %min3A_456 : vector<16xf32> to vector<16xi32>
        %eq3A_458 = arith.constant 0.000000e+00 : f32
        %eq3A_459 = vector.broadcast %eq3A_458 : f32 to vector<16xf32>
        %eq3A_460 = arith.cmpf oeq, %get3A_451, %eq3A_459 : vector<16xf32>
        %jit3A_461 = arith.constant 1023 : i32
        %broadcast_in_dim3A_462 = vector.broadcast %jit3A_461 : i32 to vector<16xi32>
        %select_n3A_463 = arith.select %eq3A_460, %broadcast_in_dim3A_462, %convert_element_type3A_457 : vector<16xi1>, vector<16xi32>
        %gather3A_464 = tpu.vector_load_idx %arg7[%select_n3A_463] : memref<1024xf32, #tpu.memory_space<vmem>>[vector<16xi32>], vector<16xf32>,
        %swap3A_465 = arith.constant 208 : index
        %swap3A_466 = tpu.vector_load %arg9[%swap3A_465] {strides = array<i32>} : memref<256xf32, #tpu.memory_space<vmem>>, vector<16xf32>,
        tpu.vector_store %arg9[%swap3A_465], %gather3A_464 {strides = array<i32>} : memref<256xf32, #tpu.memory_space<vmem>>, vector<16xf32>,
        %get3A_467 = arith.constant 224 : index
        %get3A_468 = tpu.vector_load %arg6[%get3A_467] {strides = array<i32>} : memref<256xf32, #tpu.memory_space<vmem>>, vector<16xf32>,
        %div3A_469 = vector.broadcast %reduce_sum3A_234 : f32 to vector<16xf32>
        %div3A_470 = arith.divf %div3A_469, %get3A_468 : vector<16xf32>
        %min3A_471 = arith.constant 1.023000e+03 : f32
        %min3A_472 = vector.broadcast %min3A_471 : f32 to vector<16xf32>
        %min3A_473 = arith.minimumf %div3A_470, %min3A_472 : vector<16xf32>
        %convert_element_type3A_474 = arith.fptosi %min3A_473 : vector<16xf32> to vector<16xi32>
        %eq3A_475 = arith.constant 0.000000e+00 : f32
        %eq3A_476 = vector.broadcast %eq3A_475 : f32 to vector<16xf32>
        %eq3A_477 = arith.cmpf oeq, %get3A_468, %eq3A_476 : vector<16xf32>
        %jit3A_478 = arith.constant 1023 : i32
        %broadcast_in_dim3A_479 = vector.broadcast %jit3A_478 : i32 to vector<16xi32>
        %select_n3A_480 = arith.select %eq3A_477, %broadcast_in_dim3A_479, %convert_element_type3A_474 : vector<16xi1>, vector<16xi32>
        %gather3A_481 = tpu.vector_load_idx %arg7[%select_n3A_480] : memref<1024xf32, #tpu.memory_space<vmem>>[vector<16xi32>], vector<16xf32>,
        %swap3A_482 = arith.constant 224 : index
        %swap3A_483 = tpu.vector_load %arg9[%swap3A_482] {strides = array<i32>} : memref<256xf32, #tpu.memory_space<vmem>>, vector<16xf32>,
        tpu.vector_store %arg9[%swap3A_482], %gather3A_481 {strides = array<i32>} : memref<256xf32, #tpu.memory_space<vmem>>, vector<16xf32>,
        %get3A_484 = arith.constant 240 : index
        %get3A_485 = tpu.vector_load %arg6[%get3A_484] {strides = array<i32>} : memref<256xf32, #tpu.memory_space<vmem>>, vector<16xf32>,
        %div3A_486 = vector.broadcast %reduce_sum3A_234 : f32 to vector<16xf32>
        %div3A_487 = arith.divf %div3A_486, %get3A_485 : vector<16xf32>
        %min3A_488 = arith.constant 1.023000e+03 : f32
        %min3A_489 = vector.broadcast %min3A_488 : f32 to vector<16xf32>
        %min3A_490 = arith.minimumf %div3A_487, %min3A_489 : vector<16xf32>
        %convert_element_type3A_491 = arith.fptosi %min3A_490 : vector<16xf32> to vector<16xi32>
        %eq3A_492 = arith.constant 0.000000e+00 : f32
        %eq3A_493 = vector.broadcast %eq3A_492 : f32 to vector<16xf32>
        %eq3A_494 = arith.cmpf oeq, %get3A_485, %eq3A_493 : vector<16xf32>
        %jit3A_495 = arith.constant 1023 : i32
        %broadcast_in_dim3A_496 = vector.broadcast %jit3A_495 : i32 to vector<16xi32>
        %select_n3A_497 = arith.select %eq3A_494, %broadcast_in_dim3A_496, %convert_element_type3A_491 : vector<16xi1>, vector<16xi32>
        %gather3A_498 = tpu.vector_load_idx %arg7[%select_n3A_497] : memref<1024xf32, #tpu.memory_space<vmem>>[vector<16xi32>], vector<16xf32>,
        %swap3A_499 = arith.constant 240 : index
        %swap3A_500 = tpu.vector_load %arg9[%swap3A_499] {strides = array<i32>} : memref<256xf32, #tpu.memory_space<vmem>>, vector<16xf32>,
        tpu.vector_store %arg9[%swap3A_499], %gather3A_498 {strides = array<i32>} : memref<256xf32, #tpu.memory_space<vmem>>, vector<16xf32>,
        %scan3A_501 = arith.constant 0 : i32
        %scan3A_502 = arith.constant 64 : i32
        %scan3A_503 = arith.addi %scan3A_501, %scan3A_502 : i32
        %scan3A_504 = arith.constant 1 : i32
        scf.for %scan3A_587 = %scan3A_501 to %scan3A_503 step %scan3A_504  : i32 {
          %mul3A_588 = arith.constant 1 : i32
          %mul3A_589 = arith.muli %scan3A_587, %mul3A_588 : i32
          %add3A_590 = arith.constant 0 : i32
          %add3A_591 = arith.addi %add3A_590, %mul3A_589 : i32
          %get3A_592 = arith.index_cast %add3A_591 : i32 to index
          %get3A_593 = arith.constant 0 : index
          %get3A_594 = tpu.vector_load %arg8[%get3A_592, %get3A_593] {strides = array<i32>} : memref<64x128xi32, #tpu.memory_space<vmem>>, vector<16xi32>,
          %get3A_595 = arith.index_cast %add3A_591 : i32 to index
          %get3A_596 = arith.constant 16 : index
          %get3A_597 = tpu.vector_load %arg8[%get3A_595, %get3A_596] {strides = array<i32>} : memref<64x128xi32, #tpu.memory_space<vmem>>, vector<16xi32>,
          %get3A_598 = arith.index_cast %add3A_591 : i32 to index
          %get3A_599 = arith.constant 32 : index
          %get3A_600 = tpu.vector_load %arg8[%get3A_598, %get3A_599] {strides = array<i32>} : memref<64x128xi32, #tpu.memory_space<vmem>>, vector<16xi32>,
          %get3A_601 = arith.index_cast %add3A_591 : i32 to index
          %get3A_602 = arith.constant 48 : index
          %get3A_603 = tpu.vector_load %arg8[%get3A_601, %get3A_602] {strides = array<i32>} : memref<64x128xi32, #tpu.memory_space<vmem>>, vector<16xi32>,
          %get3A_604 = arith.index_cast %add3A_591 : i32 to index
          %get3A_605 = arith.constant 64 : index
          %get3A_606 = tpu.vector_load %arg8[%get3A_604, %get3A_605] {strides = array<i32>} : memref<64x128xi32, #tpu.memory_space<vmem>>, vector<16xi32>,
          %get3A_607 = arith.index_cast %add3A_591 : i32 to index
          %get3A_608 = arith.constant 80 : index
          %get3A_609 = tpu.vector_load %arg8[%get3A_607, %get3A_608] {strides = array<i32>} : memref<64x128xi32, #tpu.memory_space<vmem>>, vector<16xi32>,
          %get3A_610 = arith.index_cast %add3A_591 : i32 to index
          %get3A_611 = arith.constant 96 : index
          %get3A_612 = tpu.vector_load %arg8[%get3A_610, %get3A_611] {strides = array<i32>} : memref<64x128xi32, #tpu.memory_space<vmem>>, vector<16xi32>,
          %get3A_613 = arith.index_cast %add3A_591 : i32 to index
          %get3A_614 = arith.constant 112 : index
          %get3A_615 = tpu.vector_load %arg8[%get3A_613, %get3A_614] {strides = array<i32>} : memref<64x128xi32, #tpu.memory_space<vmem>>, vector<16xi32>,
          %gather3A_616 = tpu.vector_load_idx %arg9[%get3A_594] : memref<256xf32, #tpu.memory_space<vmem>>[vector<16xi32>], vector<16xf32>,
          %gather3A_617 = tpu.vector_load_idx %arg9[%get3A_597] : memref<256xf32, #tpu.memory_space<vmem>>[vector<16xi32>], vector<16xf32>,
          %gather3A_618 = tpu.vector_load_idx %arg9[%get3A_600] : memref<256xf32, #tpu.memory_space<vmem>>[vector<16xi32>], vector<16xf32>,
          %gather3A_619 = tpu.vector_load_idx %arg9[%get3A_603] : memref<256xf32, #tpu.memory_space<vmem>>[vector<16xi32>], vector<16xf32>,
          %gather3A_620 = tpu.vector_load_idx %arg9[%get3A_606] : memref<256xf32, #tpu.memory_space<vmem>>[vector<16xi32>], vector<16xf32>,
          %gather3A_621 = tpu.vector_load_idx %arg9[%get3A_609] : memref<256xf32, #tpu.memory_space<vmem>>[vector<16xi32>], vector<16xf32>,
          %gather3A_622 = tpu.vector_load_idx %arg9[%get3A_612] : memref<256xf32, #tpu.memory_space<vmem>>[vector<16xi32>], vector<16xf32>,
          %gather3A_623 = tpu.vector_load_idx %arg9[%get3A_615] : memref<256xf32, #tpu.memory_space<vmem>>[vector<16xi32>], vector<16xf32>,
          %swap3A_624 = arith.constant 0 : i32
          %swap3A_625 = arith.constant 0 : i32
          %swap3A_626 = arith.constant 0 : i32
          %swap3A_627 = arith.constant 0 : i32
          %swap3A_628 = tpu.memref_slice %run_scoped3A_8[%rem3A_217, %swap3A_625, %swap3A_626, %swap3A_627] : memref<2x1x64x128xf32, #tpu.memory_space<vmem>> -> memref<1x1x64x128xf32, #tpu.memory_space<vmem>>
          %swap3A_629 = tpu.memref_squeeze %swap3A_628 : memref<1x1x64x128xf32, #tpu.memory_space<vmem>> -> memref<1x64x128xf32, #tpu.memory_space<vmem>>
          %swap3A_630 = arith.index_cast %swap3A_624 : i32 to index
          %swap3A_631 = arith.index_cast %add3A_591 : i32 to index
          %swap3A_632 = arith.constant 0 : index
          %swap3A_633 = tpu.vector_load %swap3A_629[%swap3A_630, %swap3A_631, %swap3A_632] {strides = array<i32>} : memref<1x64x128xf32, #tpu.memory_space<vmem>>, vector<16xf32>,
          tpu.vector_store %swap3A_629[%swap3A_630, %swap3A_631, %swap3A_632], %gather3A_616 {strides = array<i32>} : memref<1x64x128xf32, #tpu.memory_space<vmem>>, vector<16xf32>,
          %swap3A_634 = arith.constant 0 : i32
          %swap3A_635 = arith.constant 0 : i32
          %swap3A_636 = arith.constant 0 : i32
          %swap3A_637 = arith.constant 0 : i32
          %swap3A_638 = tpu.memref_slice %run_scoped3A_8[%rem3A_217, %swap3A_635, %swap3A_636, %swap3A_637] : memref<2x1x64x128xf32, #tpu.memory_space<vmem>> -> memref<1x1x64x128xf32, #tpu.memory_space<vmem>>
          %swap3A_639 = tpu.memref_squeeze %swap3A_638 : memref<1x1x64x128xf32, #tpu.memory_space<vmem>> -> memref<1x64x128xf32, #tpu.memory_space<vmem>>
          %swap3A_640 = arith.index_cast %swap3A_634 : i32 to index
          %swap3A_641 = arith.index_cast %add3A_591 : i32 to index
          %swap3A_642 = arith.constant 16 : index
          %swap3A_643 = tpu.vector_load %swap3A_639[%swap3A_640, %swap3A_641, %swap3A_642] {strides = array<i32>} : memref<1x64x128xf32, #tpu.memory_space<vmem>>, vector<16xf32>,
          tpu.vector_store %swap3A_639[%swap3A_640, %swap3A_641, %swap3A_642], %gather3A_617 {strides = array<i32>} : memref<1x64x128xf32, #tpu.memory_space<vmem>>, vector<16xf32>,
          %swap3A_644 = arith.constant 0 : i32
          %swap3A_645 = arith.constant 0 : i32
          %swap3A_646 = arith.constant 0 : i32
          %swap3A_647 = arith.constant 0 : i32
          %swap3A_648 = tpu.memref_slice %run_scoped3A_8[%rem3A_217, %swap3A_645, %swap3A_646, %swap3A_647] : memref<2x1x64x128xf32, #tpu.memory_space<vmem>> -> memref<1x1x64x128xf32, #tpu.memory_space<vmem>>
          %swap3A_649 = tpu.memref_squeeze %swap3A_648 : memref<1x1x64x128xf32, #tpu.memory_space<vmem>> -> memref<1x64x128xf32, #tpu.memory_space<vmem>>
          %swap3A_650 = arith.index_cast %swap3A_644 : i32 to index
          %swap3A_651 = arith.index_cast %add3A_591 : i32 to index
          %swap3A_652 = arith.constant 32 : index
          %swap3A_653 = tpu.vector_load %swap3A_649[%swap3A_650, %swap3A_651, %swap3A_652] {strides = array<i32>} : memref<1x64x128xf32, #tpu.memory_space<vmem>>, vector<16xf32>,
          tpu.vector_store %swap3A_649[%swap3A_650, %swap3A_651, %swap3A_652], %gather3A_618 {strides = array<i32>} : memref<1x64x128xf32, #tpu.memory_space<vmem>>, vector<16xf32>,
          %swap3A_654 = arith.constant 0 : i32
          %swap3A_655 = arith.constant 0 : i32
          %swap3A_656 = arith.constant 0 : i32
          %swap3A_657 = arith.constant 0 : i32
          %swap3A_658 = tpu.memref_slice %run_scoped3A_8[%rem3A_217, %swap3A_655, %swap3A_656, %swap3A_657] : memref<2x1x64x128xf32, #tpu.memory_space<vmem>> -> memref<1x1x64x128xf32, #tpu.memory_space<vmem>>
          %swap3A_659 = tpu.memref_squeeze %swap3A_658 : memref<1x1x64x128xf32, #tpu.memory_space<vmem>> -> memref<1x64x128xf32, #tpu.memory_space<vmem>>
          %swap3A_660 = arith.index_cast %swap3A_654 : i32 to index
          %swap3A_661 = arith.index_cast %add3A_591 : i32 to index
          %swap3A_662 = arith.constant 48 : index
          %swap3A_663 = tpu.vector_load %swap3A_659[%swap3A_660, %swap3A_661, %swap3A_662] {strides = array<i32>} : memref<1x64x128xf32, #tpu.memory_space<vmem>>, vector<16xf32>,
          tpu.vector_store %swap3A_659[%swap3A_660, %swap3A_661, %swap3A_662], %gather3A_619 {strides = array<i32>} : memref<1x64x128xf32, #tpu.memory_space<vmem>>, vector<16xf32>,
          %swap3A_664 = arith.constant 0 : i32
          %swap3A_665 = arith.constant 0 : i32
          %swap3A_666 = arith.constant 0 : i32
          %swap3A_667 = arith.constant 0 : i32
          %swap3A_668 = tpu.memref_slice %run_scoped3A_8[%rem3A_217, %swap3A_665, %swap3A_666, %swap3A_667] : memref<2x1x64x128xf32, #tpu.memory_space<vmem>> -> memref<1x1x64x128xf32, #tpu.memory_space<vmem>>
          %swap3A_669 = tpu.memref_squeeze %swap3A_668 : memref<1x1x64x128xf32, #tpu.memory_space<vmem>> -> memref<1x64x128xf32, #tpu.memory_space<vmem>>
          %swap3A_670 = arith.index_cast %swap3A_664 : i32 to index
          %swap3A_671 = arith.index_cast %add3A_591 : i32 to index
          %swap3A_672 = arith.constant 64 : index
          %swap3A_673 = tpu.vector_load %swap3A_669[%swap3A_670, %swap3A_671, %swap3A_672] {strides = array<i32>} : memref<1x64x128xf32, #tpu.memory_space<vmem>>, vector<16xf32>,
          tpu.vector_store %swap3A_669[%swap3A_670, %swap3A_671, %swap3A_672], %gather3A_620 {strides = array<i32>} : memref<1x64x128xf32, #tpu.memory_space<vmem>>, vector<16xf32>,
          %swap3A_674 = arith.constant 0 : i32
          %swap3A_675 = arith.constant 0 : i32
          %swap3A_676 = arith.constant 0 : i32
          %swap3A_677 = arith.constant 0 : i32
          %swap3A_678 = tpu.memref_slice %run_scoped3A_8[%rem3A_217, %swap3A_675, %swap3A_676, %swap3A_677] : memref<2x1x64x128xf32, #tpu.memory_space<vmem>> -> memref<1x1x64x128xf32, #tpu.memory_space<vmem>>
          %swap3A_679 = tpu.memref_squeeze %swap3A_678 : memref<1x1x64x128xf32, #tpu.memory_space<vmem>> -> memref<1x64x128xf32, #tpu.memory_space<vmem>>
          %swap3A_680 = arith.index_cast %swap3A_674 : i32 to index
          %swap3A_681 = arith.index_cast %add3A_591 : i32 to index
          %swap3A_682 = arith.constant 80 : index
          %swap3A_683 = tpu.vector_load %swap3A_679[%swap3A_680, %swap3A_681, %swap3A_682] {strides = array<i32>} : memref<1x64x128xf32, #tpu.memory_space<vmem>>, vector<16xf32>,
          tpu.vector_store %swap3A_679[%swap3A_680, %swap3A_681, %swap3A_682], %gather3A_621 {strides = array<i32>} : memref<1x64x128xf32, #tpu.memory_space<vmem>>, vector<16xf32>,
          %swap3A_684 = arith.constant 0 : i32
          %swap3A_685 = arith.constant 0 : i32
          %swap3A_686 = arith.constant 0 : i32
          %swap3A_687 = arith.constant 0 : i32
          %swap3A_688 = tpu.memref_slice %run_scoped3A_8[%rem3A_217, %swap3A_685, %swap3A_686, %swap3A_687] : memref<2x1x64x128xf32, #tpu.memory_space<vmem>> -> memref<1x1x64x128xf32, #tpu.memory_space<vmem>>
          %swap3A_689 = tpu.memref_squeeze %swap3A_688 : memref<1x1x64x128xf32, #tpu.memory_space<vmem>> -> memref<1x64x128xf32, #tpu.memory_space<vmem>>
          %swap3A_690 = arith.index_cast %swap3A_684 : i32 to index
          %swap3A_691 = arith.index_cast %add3A_591 : i32 to index
          %swap3A_692 = arith.constant 96 : index
          %swap3A_693 = tpu.vector_load %swap3A_689[%swap3A_690, %swap3A_691, %swap3A_692] {strides = array<i32>} : memref<1x64x128xf32, #tpu.memory_space<vmem>>, vector<16xf32>,
          tpu.vector_store %swap3A_689[%swap3A_690, %swap3A_691, %swap3A_692], %gather3A_622 {strides = array<i32>} : memref<1x64x128xf32, #tpu.memory_space<vmem>>, vector<16xf32>,
          %swap3A_694 = arith.constant 0 : i32
          %swap3A_695 = arith.constant 0 : i32
          %swap3A_696 = arith.constant 0 : i32
          %swap3A_697 = arith.constant 0 : i32
          %swap3A_698 = tpu.memref_slice %run_scoped3A_8[%rem3A_217, %swap3A_695, %swap3A_696, %swap3A_697] : memref<2x1x64x128xf32, #tpu.memory_space<vmem>> -> memref<1x1x64x128xf32, #tpu.memory_space<vmem>>
          %swap3A_699 = tpu.memref_squeeze %swap3A_698 : memref<1x1x64x128xf32, #tpu.memory_space<vmem>> -> memref<1x64x128xf32, #tpu.memory_space<vmem>>
          %swap3A_700 = arith.index_cast %swap3A_694 : i32 to index
          %swap3A_701 = arith.index_cast %add3A_591 : i32 to index
          %swap3A_702 = arith.constant 112 : index
          %swap3A_703 = tpu.vector_load %swap3A_699[%swap3A_700, %swap3A_701, %swap3A_702] {strides = array<i32>} : memref<1x64x128xf32, #tpu.memory_space<vmem>>, vector<16xf32>,
          tpu.vector_store %swap3A_699[%swap3A_700, %swap3A_701, %swap3A_702], %gather3A_623 {strides = array<i32>} : memref<1x64x128xf32, #tpu.memory_space<vmem>>, vector<16xf32>,
        }
        %scan3A_505 = arith.constant 64 : i32
        "tpu.trace_stop"() : () -> ()
        %ne3A_506 = arith.cmpi ne, %add3A_139, %add3A_157 : i32
        %or3A_507 = arith.constant false
        %or3A_508 = arith.ori %or3A_507, %ne3A_506 : i1
        %or3A_509 = arith.constant false
        %or3A_510 = arith.ori %or3A_508, %or3A_509 : i1
        %or3A_511 = arith.constant false
        %or3A_512 = arith.ori %or3A_510, %or3A_511 : i1
        %or3A_513 = arith.ori %or3A_512, %eq3A_138 : i1
        %convert_element_type3A_514 = arith.extui %or3A_513 : i1 to i32
        %cond3A_515 = arith.constant 0 : i32
        %cond3A_516 = arith.cmpi ne, %convert_element_type3A_514, %cond3A_515 : i32
        scf.if %cond3A_516 {
        } else {
        }
        %and3A_517 = arith.constant false
        %and3A_518 = arith.andi %or3A_513, %and3A_517 : i1
        %ne3A_519 = arith.cmpi ne, %add3A_139, %add3A_157 : i32
        %or3A_520 = arith.constant false
        %or3A_521 = arith.ori %or3A_520, %ne3A_519 : i1
        %or3A_522 = arith.constant false
        %or3A_523 = arith.ori %or3A_521, %or3A_522 : i1
        %or3A_524 = arith.constant false
        %or3A_525 = arith.ori %or3A_523, %or3A_524 : i1
        %or3A_526 = arith.ori %or3A_525, %eq3A_138 : i1
        %convert_element_type3A_527 = arith.extui %or3A_526 : i1 to i32
        %cond3A_528 = arith.constant 0 : i32
        %cond3A_529 = arith.cmpi ne, %convert_element_type3A_527, %cond3A_528 : i32
        scf.if %cond3A_529 {
          "tpu.trace_start"() <{level = 10 : i32, message = "ep_copy_out"}> : () -> ()
          %rem3A_587 = arith.constant 2 : i32
          %rem3A_588 = arith.remui %scan3A_132, %rem3A_587 : i32
          %mul3A_589 = arith.constant 1 : i32
          %mul3A_590 = arith.muli %mul3A_589, %add3A_139 : i32
          %dma_start3A_591 = arith.constant 0 : i32
          %dma_start3A_592 = arith.constant 0 : i32
          %dma_start3A_593 = arith.constant 0 : i32
          %dma_start3A_594 = tpu.memref_slice %run_scoped3A_8[%rem3A_588, %dma_start3A_591, %dma_start3A_592, %dma_start3A_593] : memref<2x1x64x128xf32, #tpu.memory_space<vmem>> -> memref<1x1x64x128xf32, #tpu.memory_space<vmem>>
          %dma_start3A_595 = tpu.memref_squeeze %dma_start3A_594 : memref<1x1x64x128xf32, #tpu.memory_space<vmem>> -> memref<1x64x128xf32, #tpu.memory_space<vmem>>
          %dma_start3A_596 = arith.constant 0 : i32
          %dma_start3A_597 = arith.constant 0 : i32
          %dma_start3A_598 = tpu.memref_slice %arg5[%mul3A_590, %dma_start3A_596, %dma_start3A_597] : memref<4096x64x128xf32, #tpu.memory_space<hbm>> -> memref<1x64x128xf32, #tpu.memory_space<hbm>>
          %dma_start3A_599 = tpu.memref_slice %run_scoped3A_9[%rem3A_588] : memref<2x!tpu.dma_semaphore, #tpu.memory_space<semaphore_mem>> -> memref<1x!tpu.dma_semaphore, #tpu.memory_space<semaphore_mem>>
          %dma_start3A_600 = tpu.memref_squeeze %dma_start3A_599 : memref<1x!tpu.dma_semaphore, #tpu.memory_space<semaphore_mem>> -> memref<!tpu.dma_semaphore, #tpu.memory_space<semaphore_mem>>
          %dma_start3A_601 = arith.constant 0 : i32
          %dma_start3A_602 = arith.constant 0 : i32
          %dma_start3A_603 = tpu.memref_slice %arg5[%mul3A_590, %dma_start3A_601, %dma_start3A_602] : memref<4096x64x128xf32, #tpu.memory_space<hbm>> -> memref<1x64x128xf32, #tpu.memory_space<hbm>>
          %dma_start3A_604 = arith.constant 0 : i32
          %dma_start3A_605 = arith.constant 0 : i32
          %dma_start3A_606 = arith.constant 0 : i32
          %dma_start3A_607 = tpu.memref_slice %run_scoped3A_8[%rem3A_588, %dma_start3A_604, %dma_start3A_605, %dma_start3A_606] : memref<2x1x64x128xf32, #tpu.memory_space<vmem>> -> memref<1x1x64x128xf32, #tpu.memory_space<vmem>>
          %dma_start3A_608 = tpu.memref_squeeze %dma_start3A_607 : memref<1x1x64x128xf32, #tpu.memory_space<vmem>> -> memref<1x64x128xf32, #tpu.memory_space<vmem>>
          tpu.enqueue_dma source(%dma_start3A_608 : memref<1x64x128xf32, #tpu.memory_space<vmem>>) target(%dma_start3A_603 : memref<1x64x128xf32, #tpu.memory_space<hbm>>) target_semaphore(%dma_start3A_600 : memref<!tpu.dma_semaphore, #tpu.memory_space<semaphore_mem>>)
          "tpu.trace_stop"() : () -> ()
        } else {
        }
        %and3A_530 = arith.constant true
        %and3A_531 = arith.andi %or3A_526, %and3A_530 : i1
        %add3A_532 = arith.constant 1 : i32
        %add3A_533 = arith.addi %scan3A_132, %add3A_532 : i32
        %select_n3A_534 = arith.select %and3A_531, %add3A_533, %scan3A_132 : i32
        %ne3A_535 = arith.cmpi ne, %add3A_139, %add3A_148 : i32
        %or3A_536 = arith.constant false
        %or3A_537 = arith.ori %or3A_536, %ne3A_535 : i1
        %or3A_538 = arith.constant false
        %or3A_539 = arith.ori %or3A_537, %or3A_538 : i1
        %or3A_540 = arith.constant false
        %or3A_541 = arith.ori %or3A_539, %or3A_540 : i1
        %not3A_542 = arith.constant true
        %not3A_543 = arith.xori %eq3A_136, %not3A_542 : i1
        %and3A_544 = arith.andi %or3A_541, %not3A_543 : i1
        %convert_element_type3A_545 = arith.extui %and3A_544 : i1 to i32
        %cond3A_546 = arith.constant 0 : i32
        %cond3A_547 = arith.cmpi ne, %convert_element_type3A_545, %cond3A_546 : i32
        scf.if %cond3A_547 {
        } else {
        }
        %and3A_548 = arith.constant false
        %and3A_549 = arith.andi %and3A_544, %and3A_548 : i1
        %ne3A_550 = arith.cmpi ne, %add3A_139, %add3A_148 : i32
        %or3A_551 = arith.constant false
        %or3A_552 = arith.ori %or3A_551, %ne3A_550 : i1
        %or3A_553 = arith.constant false
        %or3A_554 = arith.ori %or3A_552, %or3A_553 : i1
        %or3A_555 = arith.constant false
        %or3A_556 = arith.ori %or3A_554, %or3A_555 : i1
        %not3A_557 = arith.constant true
        %not3A_558 = arith.xori %eq3A_136, %not3A_557 : i1
        %and3A_559 = arith.andi %or3A_556, %not3A_558 : i1
        %convert_element_type3A_560 = arith.extui %and3A_559 : i1 to i32
        %cond3A_561 = arith.constant 0 : i32
        %cond3A_562 = arith.cmpi ne, %convert_element_type3A_560, %cond3A_561 : i32
        scf.if %cond3A_562 {
          "tpu.trace_start"() <{level = 10 : i32, message = "ep_wait_out"}> : () -> ()
          %rem3A_587 = arith.constant 2 : i32
          %rem3A_588 = arith.remui %scan3A_133, %rem3A_587 : i32
          %mul3A_589 = arith.constant 1 : i32
          %mul3A_590 = arith.muli %mul3A_589, %add3A_148 : i32
          %dma_wait3A_591 = arith.constant 0 : i32
          %dma_wait3A_592 = arith.constant 0 : i32
          %dma_wait3A_593 = arith.constant 0 : i32
          %dma_wait3A_594 = tpu.memref_slice %run_scoped3A_8[%rem3A_588, %dma_wait3A_591, %dma_wait3A_592, %dma_wait3A_593] : memref<2x1x64x128xf32, #tpu.memory_space<vmem>> -> memref<1x1x64x128xf32, #tpu.memory_space<vmem>>
          %dma_wait3A_595 = tpu.memref_squeeze %dma_wait3A_594 : memref<1x1x64x128xf32, #tpu.memory_space<vmem>> -> memref<1x64x128xf32, #tpu.memory_space<vmem>>
          %dma_wait3A_596 = arith.constant 0 : i32
          %dma_wait3A_597 = arith.constant 0 : i32
          %dma_wait3A_598 = tpu.memref_slice %arg5[%mul3A_590, %dma_wait3A_596, %dma_wait3A_597] : memref<4096x64x128xf32, #tpu.memory_space<hbm>> -> memref<1x64x128xf32, #tpu.memory_space<hbm>>
          %dma_wait3A_599 = tpu.memref_slice %run_scoped3A_9[%rem3A_588] : memref<2x!tpu.dma_semaphore, #tpu.memory_space<semaphore_mem>> -> memref<1x!tpu.dma_semaphore, #tpu.memory_space<semaphore_mem>>
          %dma_wait3A_600 = tpu.memref_squeeze %dma_wait3A_599 : memref<1x!tpu.dma_semaphore, #tpu.memory_space<semaphore_mem>> -> memref<!tpu.dma_semaphore, #tpu.memory_space<semaphore_mem>>
          %dma_wait3A_601 = arith.constant 0 : i32
          %dma_wait3A_602 = arith.constant 0 : i32
          %dma_wait3A_603 = tpu.memref_slice %arg5[%mul3A_590, %dma_wait3A_601, %dma_wait3A_602] : memref<4096x64x128xf32, #tpu.memory_space<hbm>> -> memref<1x64x128xf32, #tpu.memory_space<hbm>>
          %dma_wait3A_604 = arith.constant 0 : i32
          %dma_wait3A_605 = arith.constant 0 : i32
          %dma_wait3A_606 = arith.constant 0 : i32
          %dma_wait3A_607 = tpu.memref_slice %run_scoped3A_8[%rem3A_588, %dma_wait3A_604, %dma_wait3A_605, %dma_wait3A_606] : memref<2x1x64x128xf32, #tpu.memory_space<vmem>> -> memref<1x1x64x128xf32, #tpu.memory_space<vmem>>
          %dma_wait3A_608 = tpu.memref_squeeze %dma_wait3A_607 : memref<1x1x64x128xf32, #tpu.memory_space<vmem>> -> memref<1x64x128xf32, #tpu.memory_space<vmem>>
          tpu.wait_dma2 semaphore(%dma_wait3A_600 : memref<!tpu.dma_semaphore, #tpu.memory_space<semaphore_mem>>) src(%dma_wait3A_608 : memref<1x64x128xf32, #tpu.memory_space<vmem>>) dst(%dma_wait3A_603 : memref<1x64x128xf32, #tpu.memory_space<hbm>>)
          "tpu.trace_stop"() : () -> ()
        } else {
        }
        %and3A_563 = arith.constant true
        %and3A_564 = arith.andi %and3A_559, %and3A_563 : i1
        %add3A_565 = arith.constant 1 : i32
        %add3A_566 = arith.addi %scan3A_133, %add3A_565 : i32
        %select_n3A_567 = arith.select %and3A_564, %add3A_566, %scan3A_133 : i32
        %ne3A_568 = arith.cmpi ne, %add3A_139, %add3A_157 : i32
        %or3A_569 = arith.constant false
        %or3A_570 = arith.ori %or3A_569, %ne3A_568 : i1
        %or3A_571 = arith.constant false
        %or3A_572 = arith.ori %or3A_570, %or3A_571 : i1
        %or3A_573 = arith.constant false
        %or3A_574 = arith.ori %or3A_572, %or3A_573 : i1
        %or3A_575 = arith.ori %or3A_574, %eq3A_138 : i1
        %add3A_576 = arith.constant 1 : i32
        %add3A_577 = arith.addi %scan3A_131, %add3A_576 : i32
        %select_n3A_578 = arith.select %or3A_575, %add3A_577, %scan3A_131 : i32
        %add3A_579 = arith.constant 1 : i32
        %add3A_580 = arith.addi %scan3A_134, %add3A_579 : i32
        %select_n3A_581 = arith.constant true
        %select_n3A_582 = arith.select %select_n3A_581, %add3A_580, %scan3A_134 : i32
        %eq3A_583 = arith.constant 128 : i32
        %eq3A_584 = arith.cmpi eq, %select_n3A_582, %eq3A_583 : i32
        %select_n3A_585 = arith.constant 0 : i32
        %select_n3A_586 = arith.select %eq3A_584, %select_n3A_585, %select_n3A_582 : i32
        scf.yield %select_n3A_179, %select_n3A_578, %select_n3A_534, %select_n3A_567, %select_n3A_586 : i32, i32, i32, i32, i32
      }
      %scan3A_72 = arith.constant 128 : i32
      %sub3A = arith.constant 1 : i32
      %sub3A_73 = arith.subi %scan3A_71#4, %sub3A : i32
      %select_n3A_74 = arith.constant true
      %select_n3A_75 = arith.select %select_n3A_74, %sub3A_73, %scan3A_71#4 : i32
      %eq3A_76 = arith.constant -1 : i32
      %eq3A_77 = arith.cmpi eq, %select_n3A_75, %eq3A_76 : i32
      %select_n3A_78 = arith.constant 127 : i32
      %select_n3A_79 = arith.select %eq3A_77, %select_n3A_78, %select_n3A_75 : i32
      %add3A_80 = arith.addi %select_n3A_79, %mul3A_6 : i32
      %sub3A_81 = arith.constant 1 : i32
      %sub3A_82 = arith.subi %select_n3A_79, %sub3A_81 : i32
      %select_n3A_83 = arith.constant true
      %select_n3A_84 = arith.select %select_n3A_83, %sub3A_82, %select_n3A_79 : i32
      %eq3A_85 = arith.constant -1 : i32
      %eq3A_86 = arith.cmpi eq, %select_n3A_84, %eq3A_85 : i32
      %select_n3A_87 = arith.constant 127 : i32
      %select_n3A_88 = arith.select %eq3A_86, %select_n3A_87, %select_n3A_84 : i32
      %add3A_89 = arith.addi %select_n3A_88, %mul3A_6 : i32
      %add3A_90 = arith.constant 1 : i32
      %add3A_91 = arith.addi %select_n3A_79, %add3A_90 : i32
      %select_n3A_92 = arith.constant true
      %select_n3A_93 = arith.select %select_n3A_92, %add3A_91, %select_n3A_79 : i32
      %eq3A_94 = arith.constant 128 : i32
      %eq3A_95 = arith.cmpi eq, %select_n3A_93, %eq3A_94 : i32
      %select_n3A_96 = arith.constant 0 : i32
      %select_n3A_97 = arith.select %eq3A_95, %select_n3A_96, %select_n3A_93 : i32
      %add3A_98 = arith.addi %select_n3A_97, %mul3A_6 : i32
      %add3A_99 = arith.constant 1 : i32
      %add3A_100 = arith.addi %select_n3A_97, %add3A_99 : i32
      %select_n3A_101 = arith.constant true
      %select_n3A_102 = arith.select %select_n3A_101, %add3A_100, %select_n3A_97 : i32
      %eq3A_103 = arith.constant 128 : i32
      %eq3A_104 = arith.cmpi eq, %select_n3A_102, %eq3A_103 : i32
      %select_n3A_105 = arith.constant 0 : i32
      %select_n3A_106 = arith.select %eq3A_104, %select_n3A_105, %select_n3A_102 : i32
      %add3A_107 = arith.addi %select_n3A_106, %mul3A_6 : i32
      "tpu.trace_start"() <{level = 10 : i32, message = "ep_finalize"}> : () -> ()
      %rem3A_108 = arith.constant 2 : i32
      %rem3A_109 = arith.remui %scan3A_71#3, %rem3A_108 : i32
      %mul3A_110 = arith.constant 1 : i32
      %mul3A_111 = arith.muli %mul3A_110, %add3A_80 : i32
      %dma_wait3A = arith.constant 0 : i32
      %dma_wait3A_112 = arith.constant 0 : i32
      %dma_wait3A_113 = arith.constant 0 : i32
      %dma_wait3A_114 = tpu.memref_slice %run_scoped3A_8[%rem3A_109, %dma_wait3A, %dma_wait3A_112, %dma_wait3A_113] : memref<2x1x64x128xf32, #tpu.memory_space<vmem>> -> memref<1x1x64x128xf32, #tpu.memory_space<vmem>>
      %dma_wait3A_115 = tpu.memref_squeeze %dma_wait3A_114 : memref<1x1x64x128xf32, #tpu.memory_space<vmem>> -> memref<1x64x128xf32, #tpu.memory_space<vmem>>
      %dma_wait3A_116 = arith.constant 0 : i32
      %dma_wait3A_117 = arith.constant 0 : i32
      %dma_wait3A_118 = tpu.memref_slice %arg5[%mul3A_111, %dma_wait3A_116, %dma_wait3A_117] : memref<4096x64x128xf32, #tpu.memory_space<hbm>> -> memref<1x64x128xf32, #tpu.memory_space<hbm>>
      %dma_wait3A_119 = tpu.memref_slice %run_scoped3A_9[%rem3A_109] : memref<2x!tpu.dma_semaphore, #tpu.memory_space<semaphore_mem>> -> memref<1x!tpu.dma_semaphore, #tpu.memory_space<semaphore_mem>>
      %dma_wait3A_120 = tpu.memref_squeeze %dma_wait3A_119 : memref<1x!tpu.dma_semaphore, #tpu.memory_space<semaphore_mem>> -> memref<!tpu.dma_semaphore, #tpu.memory_space<semaphore_mem>>
      %dma_wait3A_121 = arith.constant 0 : i32
      %dma_wait3A_122 = arith.constant 0 : i32
      %dma_wait3A_123 = tpu.memref_slice %arg5[%mul3A_111, %dma_wait3A_121, %dma_wait3A_122] : memref<4096x64x128xf32, #tpu.memory_space<hbm>> -> memref<1x64x128xf32, #tpu.memory_space<hbm>>
      %dma_wait3A_124 = arith.constant 0 : i32
      %dma_wait3A_125 = arith.constant 0 : i32
      %dma_wait3A_126 = arith.constant 0 : i32
      %dma_wait3A_127 = tpu.memref_slice %run_scoped3A_8[%rem3A_109, %dma_wait3A_124, %dma_wait3A_125, %dma_wait3A_126] : memref<2x1x64x128xf32, #tpu.memory_space<vmem>> -> memref<1x1x64x128xf32, #tpu.memory_space<vmem>>
      %dma_wait3A_128 = tpu.memref_squeeze %dma_wait3A_127 : memref<1x1x64x128xf32, #tpu.memory_space<vmem>> -> memref<1x64x128xf32, #tpu.memory_space<vmem>>
      tpu.wait_dma2 semaphore(%dma_wait3A_120 : memref<!tpu.dma_semaphore, #tpu.memory_space<semaphore_mem>>) src(%dma_wait3A_128 : memref<1x64x128xf32, #tpu.memory_space<vmem>>) dst(%dma_wait3A_123 : memref<1x64x128xf32, #tpu.memory_space<hbm>>)
      "tpu.trace_stop"() : () -> ()
      tpu.yield
    }) : () -> ()
    return
  }
}

</mosaic_0001>

<sc_bundles>
// kernel: kernel.3.cloned.1.call-start
scs
__scs_entry_jumppad:
0x0: {  	(pc) =	sbr.rel $0x88, $3  }
0x1: {  	(tag) =	ssettag $0x0;
	lr =	simm.s32 $0x1  }
0x2: {  	[smem:$0x3F9F] =	sst lr;
	_ =	strace $0xD0000000  }
0x3: {  	_ = 	snop  }
0x4: {  	_ = 	snop  }
0x5: {  	_ = 	snop  }
0x6: {  	_ = 	snop  }
0x7: {  	_ = 	snop  }
__scs_overlays_trampoline_lowered:
0x8: {  	[smem:$0x3FAE] =	sst s0  }
0x9: {  	[smem:$0x3FAF] =	sst s1  }
0xa: {  	[smem:$0x3FB0] =	sst s2  }
0xb: {  	[smem:$0x3FB1] =	sst s3  }
0xc: {  	[smem:$0x3FB2] =	sst s4  }
0xd: {  	[smem:$0x3FB3] =	sst s5  }
0xe: {  	[smem:$0x3FB4] =	sst s6  }
0xf: {  	[smem:$0x3FB5] =	sst s7  }
0x10: {  	[smem:$0x3FB6] =	sst s8  }
0x11: {  	[smem:$0x3FB7] =	sst s9;
	s0 =	simm.s32 @!p0 $0x0  }
0x12: {  	s1 =	sld [smem:$0x3F9D];
	s0 =	simm.s32 @p0 $0x1  }
0x13: {  	[smem:$0x3FB8] =	sst s0;
	s0 =	simm.s32 @!p1 $0x0  }
0x14: {  	s2 =	sld [smem:$0x3F9C];
	s0 =	simm.s32 @p1 $0x1  }
0x15: {  	[smem:$0x3FB9] =	sst s0;
	s0 =	simm.s32 @!p2 $0x0  }
0x16: {  	s3 =	sld [smem:$0x3FDB];
	s0 =	simm.s32 @p2 $0x1  }
0x17: {  	s4 =	simm.s32 $0x1BF5;
	[smem:$0x3FBB] =	sst s0  }
0x18: {  	s0 =	sld [smem:$0x3F9E];
	_ =	swait.ge [sflag:s4], $0x0  }
0x19: {  	s7 =	sld [smem:$0x3F9F]  }
0x1a: {  	s8 =	sadd.s32 $0xFFFFE003, lr  }
0x1b: {  	s9 =	sadd.s32 $0xFFFFFEF7, lr;
	s5 =	simm.s32 $0xFFFFFFFF;
	p2 =	slt.u32 s8, $0xFFFFF086  }
0x1c: {  	p1 =	slt.u32 s9, $0xF7A;
	s5 =	simm.s32 @!p2 $0x0  }
0x1d: {  	s5 =	simm.s32 @p1 $0x1;
	p0 =	seq.s32 s7, s2  }
0x1e: {  	s7 =	smul.u32 @!p0 $0xF7A, s2;
	p2 =	seq.s32 @!p0 s5, $0x0  }
0x1f: {  	s9 =	smul.u32 $0xF7A, s1;
	s8 =	simm.s32 @!p0 $0x1BF5;
	p2 =	por !p2, p0  }
0x20: {  	[sflag:s8] =	ssyncset.s32 @!p0 $0xFFFFF086;
	s6 =	sadd.s32 @!p0 s3, s7;
	s7 =	simm.s32 @!p0 $0x108  }
0x21: {  	s3 =	sadd.s32 s3, s9;
	s6 =	sadd.s32 @!p0 $0x88, s6;
	s7 =	simm.s32 @p2 $0x1082  }
0x22: {  	[simem:s7], [sflag:s8] =	dma.local @!p0 [hbm:s6], $0xF7A  }
0x23: {  	s9 =	sor.u32 $0xD0000000, s2;
	s6 =	simm.s32 $0x108;
	_ =	swait.ge @!p0 [sflag:s8], $0x0  }
0x24: {  	s3 =	sadd.s32 $0x88, s3;
	s6 =	simm.s32 @!p1 $0x1082;
	[sflag:s4] =	ssyncset.s32 $0xFFFFF086  }
0x25: {  	[simem:s6], [sflag:s4] =	dma.local [hbm:s3], $0xF7A  }
0x26: {  	[smem:$0x3F9F] =	sst s1;
	(tag) =	ssettag s2;
	_ =	strace s9  }
0x27: {  	s1 =	sld [smem:$0x3FAF]  }
0x28: {  	s2 =	sld [smem:$0x3FB0]  }
0x29: {  	s4 =	sld [smem:$0x3FB2]  }
0x2a: {  	p0 =	seq.s32 s5, $0x0;
	s5 =	sld [smem:$0x3FB3]  }
0x2b: {  	s6 =	sld [smem:$0x3FB4]  }
0x2c: {  	s7 =	sld [smem:$0x3FB5]  }
0x2d: {  	s3 =	simm.s32 $0x108;
	s8 =	sld [smem:$0x3FB6]  }
0x2e: {  	s3 =	simm.s32 @!p0 $0x1082;
	s9 =	sld [smem:$0x3FB7]  }
0x2f: {  	lr =	sadd.s32 s0, s3;
	s0 =	sld [smem:$0x3FAE]  }
0x30: {  	s3 =	sld [smem:$0x3FB1]  }
0x31: {  	[smem:$0x3FBA] =	sst s10  }
0x32: {  	s10 =	sld [smem:$0x3FB8];
	_ =	sdelay $0x3  }
0x33: {  	p0 =	seq.s32 s10, $0x1;
	s10 =	sld [smem:$0x3FBA];
	_ =	sdelay $0x3  }
0x34: {  	[smem:$0x3FBA] =	sst s10  }
0x35: {  	s10 =	sld [smem:$0x3FB9];
	_ =	sdelay $0x3  }
0x36: {  	p1 =	seq.s32 s10, $0x1;
	s10 =	sld [smem:$0x3FBA];
	_ =	sdelay $0x3  }
0x37: {  	[smem:$0x3FBA] =	sst s10  }
0x38: {  	s10 =	sld [smem:$0x3FBB]  }
0x39: {  	_ = 	snop;
	(pc) =	sbr.ind lr, $3  }
0x3a: {  	_ = 	snop  }
0x3b: {  	_ = 	snop  }
0x3c: {  	p2 =	seq.s32 s10, $0x1;
	s10 =	sld [smem:$0x3FBA]  }
0x3d: {  	_ =	shalt  }
0x3e: {  	_ =	shalt  }
0x3f: {  	_ =	shalt  }
0x40: {  	_ =	shalt  }
0x41: {  	_ =	shalt  }
0x42: {  	_ =	shalt  }
0x43: {  	_ =	shalt  }
0x44: {  	_ =	shalt  }
0x45: {  	_ =	shalt  }
0x46: {  	_ =	shalt  }
0x47: {  	_ =	shalt  }
0x48: {  	_ =	shalt  }
0x49: {  	_ =	shalt  }
0x4a: {  	_ =	shalt  }
0x4b: {  	_ =	shalt  }
0x4c: {  	_ =	shalt  }
0x4d: {  	_ =	shalt  }
0x4e: {  	_ =	shalt  }
0x4f: {  	_ =	shalt  }
0x50: {  	_ =	shalt  }
0x51: {  	_ =	shalt  }
0x52: {  	_ =	shalt  }
0x53: {  	_ =	shalt  }
0x54: {  	_ =	shalt  }
0x55: {  	_ =	shalt  }
0x56: {  	_ =	shalt  }
0x57: {  	_ =	shalt  }
0x58: {  	_ =	shalt  }
0x59: {  	_ =	shalt  }
0x5a: {  	_ =	shalt  }
0x5b: {  	_ =	shalt  }
0x5c: {  	_ =	shalt  }
0x5d: {  	_ =	shalt  }
0x5e: {  	_ =	shalt  }
0x5f: {  	_ =	shalt  }
0x60: {  	_ =	shalt  }
0x61: {  	_ =	shalt  }
0x62: {  	_ =	shalt  }
0x63: {  	_ =	shalt  }
0x64: {  	_ =	shalt  }
0x65: {  	_ =	shalt  }
0x66: {  	_ =	shalt  }
0x67: {  	_ =	shalt  }
0x68: {  	_ =	shalt  }
0x69: {  	_ =	shalt  }
0x6a: {  	_ =	shalt  }
0x6b: {  	_ =	shalt  }
0x6c: {  	_ =	shalt  }
0x6d: {  	_ =	shalt  }
0x6e: {  	_ =	shalt  }
0x6f: {  	_ =	shalt  }
0x70: {  	_ =	shalt  }
0x71: {  	_ =	shalt  }
0x72: {  	_ =	shalt  }
0x73: {  	_ =	shalt  }
0x74: {  	_ =	shalt  }
0x75: {  	_ =	shalt  }
0x76: {  	_ =	shalt  }
0x77: {  	_ =	shalt  }
0x78: {  	_ =	shalt  }
0x79: {  	_ =	shalt  }
0x7a: {  	_ =	shalt  }
0x7b: {  	_ =	shalt  }
0x7c: {  	_ =	shalt  }
0x7d: {  	_ =	shalt  }
0x7e: {  	_ =	shalt  }
0x7f: {  	_ =	shalt  }
0x80: {  	_ =	shalt  }
0x81: {  	_ =	shalt  }
0x82: {  	_ =	shalt  }
0x83: {  	_ =	shalt  }
0x84: {  	_ =	shalt  }
0x85: {  	_ =	shalt  }
0x86: {  	_ =	shalt  }
0x87: {  	_ =	shalt  }
.Lfunc_end0:
.L_simem_size_0:
called_computation.1_lowered:
.L_overlay_start_0:
0x88: {  	s2 =	sld [smem:$0x3FD9]  }
0x89: {  	s3 =	sld [smem:$0x3FFE];
	_ =	sdelay $0x1  }
0x8a: {  	s1 =	srdreg.scid  }
0x8b: {  	s0 =	sand.u32 $0x1, s1  }
0x8c: {  	s17 =	sshll.u32 s0, $0xA;
	s2 =	sadd.s32 s3, s2  }
0x8d: {  	s2 =	sadd.s32 s2, s17  }
0x8e: {  	[smem:$0x3FC6] =	sst s2  }
0x8f: {  	_ = 	snop  }
0x90: {  	s2 =	sld [smem:$0x3FD0];
	(tm) =	ssettm $0x1  }
0x91: {  	s18 =	sld [smem:$0x3FFB];
	_ =	sdelay $0x3  }
0x92: {  	_ =	strace s18  }
0x93: {  	s3 =	sld [smem:$0x3FFC];
	_ =	sdelay $0x3  }
0x94: {  	_ =	strace s3  }
0x95: {  	s3 =	sld [smem:$0x3FFD];
	_ =	sdelay $0x3  }
0x96: {  	_ =	strace s3  }
0x97: {  	_ =	strace $0x8FFFFFFF  }
0x98: {  	s19 =	sld [smem:$0x3FDB];
	_ =	sdelay $0x1  }
0x99: {  	s4 =	simm.s32 $_scs_section_size  }
0x9a: {  	s5 =	simm.s32 $_size__tile_overlayer_lowered;
	s6 =	simm.s32 $_tile_overlayer_lowered  }
0x9b: {  	s22 =	simm.s32 $0x1BFF;
	s21 =	sshll.u32 s6, $0x1;
	s3 =	sadd.s32 s4, s19  }
0x9c: {  	s7 =	simm.s32 $0x0;
	s20 =	sshll.u32 s5, $0x1;
	s5 =	sadd.s32 s21, s3  }
0x9d: {  	[timem:s7], [sflag:s22] =	dma.local [hbm:s5], s20  }
0x9e: {  	_ =	swait.ge [sflag:s22], s20  }
0x9f: {  	s4 =	ssub.s32 $0x0, s20;
	[sflag:s22] =	ssyncset.done $0x0  }
0xa0: {  	[sflag:s22] =	ssyncadd.s32 s4;
	_ =	sdelay $0x1  }
0xa1: {  	s23 =	simm.s32 $0x1B8B  }
0xa2: {  	_ =	swait.ge [sflag:s23], $0x1  }
0xa3: {  	[sflag:s23] =	ssyncset.done $0x0  }
0xa4: {  	s25 =	simm.s32 $0x1B8E;
	s24 =	sld [smem:$0x3FFE];
	[sflag:s23] =	ssyncadd.s32 $0xFFFFFFFF  }
0xa5: {  	s26 =	simm.s32 $execute0_lowered;
	[smem:$0x3FD2] =	sst s25  }
0xa6: {  	s5 =	sshll.u32 s26, $0x1;
	_ =	strace $0x80000049;
	[dreg:$0x1] =	wrdreg $0xFFFFFFFF  }
0xa7: {  	s28 =	simm.s32 $_size_execute0_lowered;
	s3 =	sadd.s32 s3, s5;
	[dreg:$0x0] =	wrdreg $0x0  }
0xa8: {  	s5 =	sshll.u32 s28, $0x1;
	[dreg:$0x2] =	wrdreg s3  }
0xa9: {  	[dreg:$0x3] =	wrdreg s5  }
0xaa: {  	[dreg:$0x4] =	wrdreg $0xC0  }
0xab: {  	_ =	task [dreg:s7], $0x5FFFF  }
0xac: {  	[dreg:$0x1] =	wrdreg $0xFFFFFFFF  }
0xad: {  	[dreg:$0x0] =	wrdreg $0x60  }
0xae: {  	[dreg:$0x2] =	wrdreg s2  }
0xaf: {  	[dreg:$0x3] =	wrdreg s24  }
0xb0: {  	[dreg:$0x4] =	wrdreg $0x9  }
0xb1: {  	_ =	task.clear_ibuf [dreg:s7], $0x5FFFF;
	_ =	strace $0x90000049  }
0xb2: {  	s29 =	simm.s32 $0x9;
	_ =	strace $0x80000052  }
0xb3: {  	_ =	swait.ge [sflag:s29], $0x1  }
0xb4: {  	[sflag:s29] =	ssyncadd.s32 $0xFFFFFFFF  }
0xb5: {  	_ =	strace $0x90000052  }
0xb6: {  	_ =	sfence  }
0xb7: {  	s30 =	sld [smem:$0x0];
	_ =	sdelay $0x2  }
0xb8: {  	s31 =	sshll.u32 s1, $0xD;
	s1 =	sshrl.u32 s1, $0x2  }
0xb9: {  	s3 =	sand.u32 $0x4000, s31;
	s1 =	sadd.s32 s1, s30  }
0xba: {  	s0 =	sor.u32 s3, s0;
	s1 =	sshll.u32 s1, $0x11  }
0xbb: {  	s0 =	sor.u32 s1, s0  }
0xbc: {  	s0 =	sadd.s32 $0x8F2B, s0  }
0xbd: {  	[sflag:s0] =	ssyncadd.remote.s32 $0x1  }
0xbe: {  	_ =	sfence.sel $0xFFFF  }
0xbf: {  	[dreg:$0x0] =	wrdreg $0xFFFFFFFF;
	(pc) =	sbr.abs _section_cstart, $3  }
0xc0: {  	[dreg:$0x1] =	wrdreg $0xFFFFFFFF  }
0xc1: {  	_ =	task.clear_ibuf [dreg:s7], $0x2FFFF;
	_ =	strace $0x9FFFFFFF  }
0xc2: {  	(tm) =	ssettm $0x7FFFFFFF  }
0xc3: {  	_ =	shalt  }
tec
execute0_lowered:
.L_overlay_start_1:
0x0: {  	(tag) =	ssettag $0x1  }
0x1: {  	s1 =	rddreg [dreg:$0x0]  }
0x2: {  	s7 =	rddreg [dreg:$0x1]  }
0x3: {  	s0 =	rddreg [dreg:$0x2];
	s3 =	simm.s32 $0x0;
	s4 =	srdreg.scid  }
0x4: {  	s2 =	stileid.u32;
	s11 =	simm.s32 $0x2600;
	s12 =	simm.s32 $0x2500  }
0x5: {  	s13 =	simm.s32 $0x1;
	s14 =	simm.s32 $0x0;
	[smem:$0x7FF] =	sst s3  }
0x6: {  	s5 =	sand.u32 $0x1, s4;
	s8 =	sshll.u32 s2, $0x7;
	s4 =	sadd.s32 $0x800, s7  }
0x7: {  	_ =	strace $0x8000004A;
	s6 =	sshll.u32 s5, $0xB;
	s9 =	ssub.s32 $0x2, s5  }
0x8: {  	s5 =	sor.u32 s8, s6;
	s6 =	sadd.s32 $0xA00, s7;
	s31 =	sshrl.u32 s9, $0x1  }
0x9: {  	s7 =	sadd.s32 $0xC00, s7;
	s10 =	sshll.u32 s5, $0xA;
	s9 =	ssub.s32 s9, s31  }
0xa: {  	s8 =	sadd.s32 s1, s10;
	s9 =	smax.u32 s9, $0x1;
	s10 =	simm.s32 $0x100  }
.LBB2_1:
0xb: {  	[tilespmem:s3], [sflag:$0x1] =	stream.linear.gather [hbm4b:s4+s3], $0x100, $0x38;
	[tilespmem:$0xA600] =	vst v63  }
0xc: {  	_ =	swait.ge [sflag:s13], $0x100  }
0xd: {  	[sflag:s13] =	ssyncset.done $0x0  }
0xe: {  	[sflag:s13] =	ssyncadd.s32 $0xFFFFFF00  }
0xf: {  	[tilespmem:s10], [sflag:$0x1] =	stream.linear.gather [hbm4b:s6+s3], $0x400, $0x38;
	[tilespmem:$0xA600] =	vst v63  }
0x10: {  	_ =	swait.ge [sflag:s13], $0x400  }
0x11: {  	[sflag:s13] =	ssyncset.done $0x0  }
0x12: {  	s16 =	simm.s32 $0x0;
	s15 =	simm.s32 $0x0;
	[sflag:s13] =	ssyncadd.s32 $0xFFFFFC00  }
0x13: {  	s17 =	simm.s32 $0x0;
	s18 =	simm.s32 $0x0;
	_ =	strace $0x8000004B  }
0x14: {  	[tilespmem:s11], [sflag:$0x1] =	stream.linear.gather [hbm4b:s8+s3], $0x2000, $0x200038;
	[tilespmem:$0xA600] =	vst v63  }
0x15: {  	s19 =	simm.s32 $0x1;
	s20 =	simm.s32 $0x0;
	_ =	strace $0x9000004B  }
.LBB2_2:
0x16: {  	s21 =	smov.u32 s16;
	s16 =	sadd.s32 $0x1, s16  }
0x17: {  	p0 =	seq.s32 s16, $0x80  }
0x18: {  	s16 =	simm.s32 @p0 $0x0  }
0x19: {  	p6 =	sne.s32 s20, $0x7F;
	p1 =	sne.s32 s21, s16  }
0x1a: {  	p0 =	por !p6, !p1  }
0x1b: {  	p0 =	por !p0, !p0  }
0x1c: {  	s29 =	sand.u32 $0x1, s18;
	s23 =	sadd.s32 @p0 s5, s16  }
0x1d: {  	s22 =	sand.u32 @p0 $0x1, s19;
	_ =	strace @p0 $0x8000004C;
	s23 =	sshll.u32 @p0 s23, $0xA  }
0x1e: {  	s25 =	simm.s32 @p0 $0x0;
	s24 =	sshll.u32 @p0 s22, $0xD;
	s23 =	sand.u32 @p0 $0x1FFFFC00, s23  }
0x1f: {  	s22 =	sadd.s32 @p0 $0x1, s22;
	s24 =	sadd.s32 @p0 $0x2600, s24;
	s23 =	sadd.s32 @p0 s1, s23  }
0x20: {  	[tilespmem:s24], [sflag:s22] =	stream.linear.gather @p0 [hbm4b:s23+s25], $0x2000, $0x200038;
	[tilespmem:$0xA600] =	vst v63  }
0x21: {  	s30 =	sshll.u32 s29, $0xD;
	_ =	strace @p0 $0x9000004C  }
0x22: {  	s22 =	sadd.s32 $0x1, s29;
	s23 =	sadd.s32 $0x2640, s30;
	_ =	strace $0x8000004D  }
0x23: {  	v2 =	vmov s23;
	_ =	swait.ge [sflag:s22], $0x2000  }
0x24: {  	[sflag:s22] =	ssyncset.done $0x0  }
0x25: {  	[sflag:s22] =	ssyncadd.s32 $0xFFFFE000  }
0x26: {  	_ =	strace $0x9000004D  }
0x27: {  	s31 =	simm.s32 $0x0;
	_ =	strace $0x8000004E  }
0x28: {  	v0 =	vld.idx.msk [tilespmem:v2+s31+$0x20 ss:$0x1], $0xffff  }
0x29: {  	v1 =	vld.idx.msk [tilespmem:v2+s31+$0x30 ss:$0x1], $0xffff  }
0x2a: {  	v3 =	vld.idx.msk [tilespmem:v2+s31+$0x0 ss:$0x1], $0xffff  }
0x2b: {  	v4 =	vld.idx.msk [tilespmem:v2+s31+$0xFFFFFFC0 ss:$0x1], $0xffff  }
0x2c: {  	v5 =	vld.idx.msk [tilespmem:v2+s31+$0x10 ss:$0x1], $0xffff  }
0x2d: {  	v6 =	vld.idx.msk [tilespmem:v2+s31+$0xFFFFFFD0 ss:$0x1], $0xffff  }
0x2e: {  	v7 =	vld.idx.msk [tilespmem:v2+s31+$0xFFFFFFE0 ss:$0x1], $0xffff  }
0x2f: {  	v8 =	vld.idx.msk [tilespmem:v2+s31+$0xFFFFFFF0 ss:$0x1], $0xffff;
	_ =	sdelay $0x1  }
0x30: {  	v0 =	vmul.f32 $1.600000000e+01, v0;
	v1 =	vmul.f32 $1.600000000e+01, v1  }
0x31: {  	v3 =	vmul.f32 $1.600000000e+01, v3;
	v4 =	vmul.f32 $1.600000000e+01, v4  }
0x32: {  	v5 =	vmul.f32 $1.600000000e+01, v5;
	v6 =	vmul.f32 $1.600000000e+01, v6  }
0x33: {  	v7 =	vmul.f32 $1.600000000e+01, v7;
	v8 =	vmul.f32 $1.600000000e+01, v8;
	v0 =	vmax.f32 v0, $-1.280000000e+02  }
0x34: {  	v1 =	vmax.f32 v1, $-1.280000000e+02;
	v3 =	vmax.f32 v3, $-1.280000000e+02;
	v4 =	vmax.f32 v4, $-1.280000000e+02  }
0x35: {  	v6 =	vmax.f32 v6, $-1.280000000e+02;
	v5 =	vmax.f32 v5, $-1.280000000e+02;
	v3 =	vmin.f32 v3, $1.270000000e+02  }
0x36: {  	v1 =	vmin.f32 v1, $1.270000000e+02;
	v4 =	vmin.f32 v4, $1.270000000e+02;
	v3 =	vadd.f32 $1.258291200e+07, v3  }
0x37: {  	v0 =	vmin.f32 v0, $1.270000000e+02;
	v1 =	vadd.f32 $1.258291200e+07, v1;
	v4 =	vadd.f32 $1.258291200e+07, v4  }
0x38: {  	v0 =	vadd.f32 $1.258291200e+07, v0;
	v10 =	vand.u32 $0xFF, v3;
	v3 =	vmax.f32 v7, $-1.280000000e+02  }
0x39: {  	v9 =	vand.u32 $0xFF, v1;
	v12 =	vand.u32 $0xFF, v4;
	v4 =	vmin.f32 v5, $1.270000000e+02;
	[tilespmem:s31+$0x540] =	vst v10  }
0x3a: {  	v7 =	vmax.f32 v8, $-1.280000000e+02;
	v1 =	vmin.f32 v3, $1.270000000e+02;
	[tilespmem:s31+$0x570] =	vst v9;
	v4 =	vadd.f32 $1.258291200e+07, v4  }
0x3b: {  	v11 =	vand.u32 $0xFF, v0;
	v3 =	vmin.f32 v7, $1.270000000e+02;
	[tilespmem:s31+$0x500] =	vst v12;
	v1 =	vadd.f32 $1.258291200e+07, v1  }
0x3c: {  	[tilespmem:s31+$0x560] =	vst v11;
	v0 =	vadd.f32 $1.258291200e+07, v3;
	v3 =	vmin.f32 v6, $1.270000000e+02;
	v16 =	vand.u32 $0xFF, v4  }
0x3d: {  	v13 =	vand.u32 $0xFF, v1;
	v1 =	vadd.f32 $1.258291200e+07, v3;
	[tilespmem:s31+$0x550] =	vst v16  }
0x3e: {  	v15 =	vand.u32 $0xFF, v0;
	[tilespmem:s31+$0x520] =	vst v13  }
0x3f: {  	[tilespmem:s31+$0x530] =	vst v15;
	v17 =	vand.u32 $0xFF, v1  }
0x40: {  	s22 =	simm.s32 $0x80;
	[tilespmem:s31+$0x510] =	vst v17  }
0x41: {  	v22 =	vld.idx.msk [tilespmem:v2+s22+$0x20 ss:$0x1], $0xffff  }
0x42: {  	v14 =	vld.idx.msk [tilespmem:v2+s22+$0xFFFFFFF0 ss:$0x1], $0xffff  }
0x43: {  	v21 =	vld.idx.msk [tilespmem:v2+s22+$0x30 ss:$0x1], $0xffff  }
0x44: {  	v5 =	vimm.f32 $0.0e+00;
	v8 =	vimm.f32 $0.0e+00;
	v20 =	vld.idx.msk [tilespmem:v2+s22+$0x0 ss:$0x1], $0xffff  }
0x45: {  	v7 =	vimm.f32 $0.0e+00;
	v6 =	vimm.f32 $0.0e+00;
	v4 =	vimm.f32 $0.0e+00;
	v19 =	vld.idx.msk [tilespmem:v2+s22+$0xFFFFFFC0 ss:$0x1], $0xffff  }
0x46: {  	s21 =	sadd.s32 s5, s21;
	s23 =	simm.s32 $0x400;
	v0 =	vimm.f32 $0.0e+00;
	v3 =	vimm.f32 $0.0e+00;
	v1 =	vimm.f32 $0.0e+00;
	v18 =	vld.idx.msk [tilespmem:v2+s22+$0x10 ss:$0x1], $0xffff  }
.LBB2_3:
0x47: {  	p2 =	sne.s32 s23, $0x7E00;
	v23 =	vld.idx.msk [tilespmem:v2+s22+$0xFFFFFFD0 ss:$0x1], $0xffff;
	v22 =	vmul.f32 $1.600000000e+01, v22;
	s24 =	smov.u32 s23;
	s23 =	sadd.s32 $0x200, s23  }
0x48: {  	v24 =	vld.idx.msk [tilespmem:v2+s22+$0xFFFFFFE0 ss:$0x1], $0xffff  }
0x49: {  	s24 =	sshra.s32 s24, $0x2;
	v21 =	vmul.f32 $1.600000000e+01, v21;
	v22 =	vmax.f32 v22, $-1.280000000e+02;
	v17 =	vld.idx.msk [tilespmem:v17+s3+$0x0], $0xffff  }
0x4a: {  	v20 =	vmul.f32 $1.600000000e+01, v20;
	v22 =	vmin.f32 v22, $1.270000000e+02;
	v16 =	vld.idx.msk [tilespmem:v16+s3+$0x0], $0xffff  }
0x4b: {  	v19 =	vmul.f32 $1.600000000e+01, v19;
	v21 =	vmax.f32 v21, $-1.280000000e+02;
	v22 =	vadd.f32 $1.258291200e+07, v22;
	v25 =	vld.idx.msk [tilespmem:v15+s3+$0x0], $0xffff  }
0x4c: {  	v15 =	vmul.f32 $1.600000000e+01, v18;
	v18 =	vmax.f32 v20, $-1.280000000e+02;
	v20 =	vmin.f32 v21, $1.270000000e+02;
	v21 =	vld.idx.msk [tilespmem:v12+s3+$0x0], $0xffff  }
0x4d: {  	v12 =	vmul.f32 $1.600000000e+01, v23;
	v18 =	vmin.f32 v18, $1.270000000e+02;
	v20 =	vadd.f32 $1.258291200e+07, v20;
	v23 =	vld.idx.msk [tilespmem:v13+s3+$0x0], $0xffff  }
0x4e: {  	v19 =	vmax.f32 v19, $-1.280000000e+02;
	v13 =	vmul.f32 $1.600000000e+01, v24;
	v18 =	vadd.f32 $1.258291200e+07, v18;
	v24 =	vld.idx.msk [tilespmem:v10+s3+$0x0], $0xffff  }
0x4f: {  	v14 =	vmul.f32 $1.600000000e+01, v14;
	v12 =	vmax.f32 v12, $-1.280000000e+02;
	v10 =	vmin.f32 v19, $1.270000000e+02;
	v19 =	vld.idx.msk [tilespmem:v9+s3+$0x0], $0xffff  }
0x50: {  	v15 =	vmax.f32 v15, $-1.280000000e+02;
	v26 =	vadd.f32 $1.258291200e+07, v10;
	v10 =	vand.u32 $0xFF, v18;
	v18 =	vld.idx.msk [tilespmem:v11+s3+$0x0], $0xffff  }
0x51: {  	v9 =	vand.u32 $0xFF, v20;
	v11 =	vmax.f32 v13, $-1.280000000e+02;
	v13 =	vmax.f32 v14, $-1.280000000e+02;
	[tilespmem:s22+$0x540] =	vst v10  }
0x52: {  	v15 =	vmin.f32 v15, $1.270000000e+02;
	v14 =	vmin.f32 v12, $1.270000000e+02;
	v12 =	vand.u32 $0xFF, v26;
	[tilespmem:s22+$0x570] =	vst v9  }
0x53: {  	v20 =	vmin.f32 v11, $1.270000000e+02;
	v13 =	vmin.f32 v13, $1.270000000e+02;
	v11 =	vand.u32 $0xFF, v22;
	[tilespmem:s22+$0x500] =	vst v12  }
0x54: {  	v1 =	vadd.f32 v16, v1;
	v20 =	vadd.f32 $1.258291200e+07, v20;
	[tilespmem:s22+$0x560] =	vst v11  }
0x55: {  	v16 =	vadd.f32 $1.258291200e+07, v13;
	v0 =	vadd.f32 v19, v0  }
0x56: {  	v5 =	vadd.f32 v21, v5;
	v19 =	vadd.f32 $1.258291200e+07, v15;
	v13 =	vand.u32 $0xFF, v20  }
0x57: {  	v6 =	vadd.f32 v17, v6;
	v14 =	vadd.f32 $1.258291200e+07, v14;
	v15 =	vand.u32 $0xFF, v16;
	[tilespmem:s22+$0x520] =	vst v13  }
0x58: {  	v7 =	vadd.f32 v23, v7;
	v4 =	vadd.f32 v24, v4;
	v16 =	vand.u32 $0xFF, v19;
	[tilespmem:s22+$0x530] =	vst v15  }
0x59: {  	v8 =	vadd.f32 v25, v8;
	v17 =	vand.u32 $0xFF, v14;
	v3 =	vadd.f32 v18, v3;
	[tilespmem:s22+$0x550] =	vst v16  }
0x5a: {  	[tilespmem:s22+$0x510] =	vst v17;
	s22 =	smov.u32 s24  }
0x5b: {  	v22 =	vld.idx.msk [tilespmem:v2+s22+$0x20 ss:$0x1], $0xffff  }
.Ltmp0:
0x5c: {  	v14 =	vld.idx.msk [tilespmem:v2+s22+$0xFFFFFFF0 ss:$0x1], $0xffff;
	(pc) =	sbr.rel @p2 .LBB2_3-.Ltmp0, $4  }
0x5d: {  	v21 =	vld.idx.msk [tilespmem:v2+s22+$0x30 ss:$0x1], $0xffff  }
0x5e: {  	v20 =	vld.idx.msk [tilespmem:v2+s22+$0x0 ss:$0x1], $0xffff  }
0x5f: {  	v19 =	vld.idx.msk [tilespmem:v2+s22+$0xFFFFFFC0 ss:$0x1], $0xffff  }
0x60: {  	v18 =	vld.idx.msk [tilespmem:v2+s22+$0x10 ss:$0x1], $0xffff  }
0x61: {  	_ =	sdelay $0x2  }
0x62: {  	v22 =	vmul.f32 $1.600000000e+01, v22  }
0x63: {  	v23 =	vld.idx.msk [tilespmem:v2+s22+$0xFFFFFFD0 ss:$0x1], $0xffff;
	v14 =	vmul.f32 $1.600000000e+01, v14  }
0x64: {  	v2 =	vld.idx.msk [tilespmem:v2+s22+$0xFFFFFFE0 ss:$0x1], $0xffff;
	v21 =	vmul.f32 $1.600000000e+01, v21;
	v22 =	vmax.f32 v22, $-1.280000000e+02;
	v20 =	vmul.f32 $1.600000000e+01, v20  }
0x65: {  	v17 =	vld.idx.msk [tilespmem:v17+s3+$0x0], $0xffff;
	v14 =	vmax.f32 v14, $-1.280000000e+02;
	v22 =	vmin.f32 v22, $1.270000000e+02;
	v19 =	vmul.f32 $1.600000000e+01, v19  }
0x66: {  	v16 =	vld.idx.msk [tilespmem:v16+s3+$0x0], $0xffff;
	v21 =	vmax.f32 v21, $-1.280000000e+02;
	v14 =	vmin.f32 v14, $1.270000000e+02;
	v22 =	vadd.f32 $1.258291200e+07, v22  }
0x67: {  	v15 =	vld.idx.msk [tilespmem:v15+s3+$0x0], $0xffff;
	v18 =	vmul.f32 $1.600000000e+01, v18;
	v20 =	vmax.f32 v20, $-1.280000000e+02;
	v21 =	vmin.f32 v21, $1.270000000e+02  }
0x68: {  	v12 =	vld.idx.msk [tilespmem:v12+s3+$0x0], $0xffff;
	v14 =	vadd.f32 $1.258291200e+07, v14;
	v23 =	vmul.f32 $1.600000000e+01, v23;
	v20 =	vmin.f32 v20, $1.270000000e+02  }
0x69: {  	v13 =	vld.idx.msk [tilespmem:v13+s3+$0x0], $0xffff;
	v21 =	vadd.f32 $1.258291200e+07, v21;
	v2 =	vmul.f32 $1.600000000e+01, v2;
	v19 =	vmax.f32 v19, $-1.280000000e+02  }
0x6a: {  	v10 =	vld.idx.msk [tilespmem:v10+s3+$0x0], $0xffff;
	v20 =	vadd.f32 $1.258291200e+07, v20;
	v19 =	vmin.f32 v19, $1.270000000e+02;
	v18 =	vmax.f32 v18, $-1.280000000e+02  }
0x6b: {  	v9 =	vld.idx.msk [tilespmem:v9+s3+$0x0], $0xffff;
	v22 =	vand.u32 $0xFF, v22;
	v14 =	vand.u32 $0xFF, v14;
	v23 =	vmax.f32 v23, $-1.280000000e+02  }
0x6c: {  	v11 =	vld.idx.msk [tilespmem:v11+s3+$0x0], $0xffff;
	v19 =	vadd.f32 $1.258291200e+07, v19;
	v2 =	vmax.f32 v2, $-1.280000000e+02;
	v21 =	vand.u32 $0xFF, v21;
	[tilespmem:s22+$0x560] =	vst v22  }
0x6d: {  	v18 =	vmin.f32 v18, $1.270000000e+02;
	[tilespmem:s22+$0x530] =	vst v14;
	v20 =	vand.u32 $0xFF, v20;
	v23 =	vmin.f32 v23, $1.270000000e+02  }
0x6e: {  	v2 =	vmin.f32 v2, $1.270000000e+02;
	[tilespmem:s22+$0x570] =	vst v21;
	v18 =	vadd.f32 $1.258291200e+07, v18;
	v23 =	vadd.f32 $1.258291200e+07, v23  }
0x6f: {  	[tilespmem:s22+$0x540] =	vst v20;
	v19 =	vand.u32 $0xFF, v19;
	v2 =	vadd.f32 $1.258291200e+07, v2  }
0x70: {  	[tilespmem:s22+$0x500] =	vst v19;
	v18 =	vand.u32 $0xFF, v18;
	v23 =	vand.u32 $0xFF, v23  }
0x71: {  	v2 =	vand.u32 $0xFF, v2;
	[tilespmem:s22+$0x550] =	vst v18  }
0x72: {  	[tilespmem:s22+$0x520] =	vst v2  }
0x73: {  	[tilespmem:s22+$0x510] =	vst v23  }
0x74: {  	v19 =	vld.idx.msk [tilespmem:v19+s3+$0x0], $0xffff  }
0x75: {  	v23 =	vld.idx.msk [tilespmem:v23+s3+$0x0], $0xffff;
	_ =	sdelay $0x1  }
0x76: {  	v2 =	vld.idx.msk [tilespmem:v2+s3+$0x0], $0xffff  }
0x77: {  	v5 =	vadd.f32 v12, v5;
	v6 =	vadd.f32 v17, v6  }
0x78: {  	v7 =	vadd.f32 v13, v7;
	v60 =	vld.idx.msk [tilespmem:v14+s3+$0x0], $0xffff  }
0x79: {  	v5 =	vadd.f32 v19, v5;
	v6 =	vadd.f32 v23, v6  }
0x7a: {  	v8 =	vadd.f32 v15, v8;
	v61 =	vld.idx.msk [tilespmem:v20+s3+$0x0], $0xffff  }
0x7b: {  	v2 =	vadd.f32 v2, v7;
	v5 =	vadd.f32 v6, v5  }
0x7c: {  	v4 =	vadd.f32 v10, v4;
	v6 =	vld.idx.msk [tilespmem:v18+s3+$0x0], $0xffff  }
0x7d: {  	v7 =	vadd.f32 v60, v8;
	v2 =	vadd.f32 v2, v5  }
0x7e: {  	v1 =	vadd.f32 v16, v1;
	v5 =	vld.idx.msk [tilespmem:v22+s3+$0x0], $0xffff  }
0x7f: {  	v4 =	vadd.f32 v61, v4;
	v2 =	vadd.f32 v7, v2  }
0x80: {  	v3 =	vadd.f32 v11, v3;
	v7 =	vld.idx.msk [tilespmem:v21+s3+$0x0], $0xffff  }
0x81: {  	v1 =	vadd.f32 v6, v1;
	v2 =	vadd.f32 v4, v2  }
0x82: {  	v0 =	vadd.f32 v9, v0  }
0x83: {  	v3 =	vadd.f32 v5, v3;
	v1 =	vadd.f32 v1, v2;
	_ =	sdelay $0x1  }
0x84: {  	v0 =	vadd.f32 v7, v0;
	v1 =	vadd.f32 v3, v1;
	_ =	sdelay $0x1  }
0x85: {  	v0 =	vadd.f32 v0, v1;
	v1 =	vld [tilespmem:$0x0];
	_ =	sdelay $0x1  }
0x86: {  	(xrf2) =	vadd.scan.msk.f32 $0xffff, v0;
	_ =	sdelay $0x2  }
0x87: {  	(erf) = vrcp.f32 v1  }
0x88: {  	v2 =	vld [tilespmem:$0x10];
	_ =	sdelay $0x4  }
0x89: {  	(erf) = vrcp.f32 v2  }
0x8a: {  	v0, _, _ =	vpop (xrf2)  }
0x8b: {  	v3 =	vld [tilespmem:$0x20];
	v0 =	vbroadcast v0, $0xF  }
0x8c: {  	v4 =	vpop (erf)  }
0x8d: {  	v4 =	vmul.f32 v4, v0  }
0x8e: {  	v5 =	vld [tilespmem:$0x30]  }
0x8f: {  	v4 =	vmin.f32 v4, $1.023000000e+03  }
0x90: {  	(erf) = vrcp.f32 v3;
	v4 =	vtrunc.f32 v4  }
0x91: {  	v4 =	vcvt.f32.s32 v4  }
0x92: {  	vm0 =	veq.f32 v1, $0.0e+00;
	v1 =	vpop (erf)  }
0x93: {  	(erf) = vrcp.f32 v5;
	v1 =	vmul.f32 v1, v0;
	v4 =	vsel vm0, $0x3FF, v4;
	_ =	sdelay $0x1  }
0x94: {  	v6 =	vld [tilespmem:$0x40];
	v1 =	vmin.f32 v1, $1.023000000e+03  }
0x95: {  	v1 =	vtrunc.f32 v1  }
0x96: {  	v1 =	vcvt.f32.s32 v1  }
0x97: {  	vm13 =	veq.f32 v2, $0.0e+00;
	v4 =	vld.idx.msk [tilespmem:v4+s10+$0x0], $0xffff  }
0x98: {  	v1 =	vsel vm13, $0x3FF, v1;
	v2 =	vpop (erf)  }
0x99: {  	(erf) = vrcp.f32 v6;
	v2 =	vmul.f32 v2, v0;
	_ =	sdelay $0x1  }
0x9a: {  	v7 =	vld [tilespmem:$0x50];
	vm14 =	veq.f32 v3, $0.0e+00;
	v3 =	vpop (erf);
	v2 =	vmin.f32 v2, $1.023000000e+03  }
0x9b: {  	v3 =	vmul.f32 v3, v0;
	v2 =	vtrunc.f32 v2;
	[tilespmem:$0x2500] =	vst v4  }
0x9c: {  	v2 =	vcvt.f32.s32 v2;
	v1 =	vld.idx.msk [tilespmem:v1+s10+$0x0], $0xffff  }
0x9d: {  	v3 =	vmin.f32 v3, $1.023000000e+03  }
0x9e: {  	v3 =	vtrunc.f32 v3;
	v2 =	vsel vm14, $0x3FF, v2  }
0x9f: {  	(erf) = vrcp.f32 v7;
	_ =	sdelay $0x1  }
0xa0: {  	v4 =	vld [tilespmem:$0x60];
	[tilespmem:$0x2510] =	vst v1;
	v1 =	vcvt.f32.s32 v3;
	v3 =	vpop (erf)  }
0xa1: {  	v3 =	vmul.f32 v3, v0  }
0xa2: {  	v2 =	vld.idx.msk [tilespmem:v2+s10+$0x0], $0xffff  }
0xa3: {  	vm15 =	veq.f32 v5, $0.0e+00;
	v3 =	vmin.f32 v3, $1.023000000e+03  }
0xa4: {  	v1 =	vsel vm15, $0x3FF, v1;
	v3 =	vtrunc.f32 v3  }
0xa5: {  	(erf) = vrcp.f32 v4;
	_ =	sdelay $0x1  }
0xa6: {  	v5 =	vld [tilespmem:$0x70];
	[tilespmem:$0x2520] =	vst v2;
	v2 =	vcvt.f32.s32 v3;
	v3 =	vpop (erf)  }
0xa7: {  	v3 =	vmul.f32 v3, v0  }
0xa8: {  	v1 =	vld.idx.msk [tilespmem:v1+s10+$0x0], $0xffff  }
0xa9: {  	vm4 =	veq.f32 v6, $0.0e+00;
	v3 =	vmin.f32 v3, $1.023000000e+03  }
0xaa: {  	v2 =	vsel vm4, $0x3FF, v2;
	v3 =	vtrunc.f32 v3  }
0xab: {  	(erf) = vrcp.f32 v5;
	_ =	sdelay $0x1  }
0xac: {  	v6 =	vld [tilespmem:$0x80];
	[tilespmem:$0x2530] =	vst v1;
	v1 =	vcvt.f32.s32 v3;
	v3 =	vpop (erf)  }
0xad: {  	v3 =	vmul.f32 v3, v0  }
0xae: {  	v2 =	vld.idx.msk [tilespmem:v2+s10+$0x0], $0xffff  }
0xaf: {  	vm5 =	veq.f32 v7, $0.0e+00;
	v3 =	vmin.f32 v3, $1.023000000e+03  }
0xb0: {  	v1 =	vsel vm5, $0x3FF, v1;
	v3 =	vtrunc.f32 v3  }
0xb1: {  	(erf) = vrcp.f32 v6;
	_ =	sdelay $0x1  }
0xb2: {  	v7 =	vld [tilespmem:$0x90];
	[tilespmem:$0x2540] =	vst v2;
	v2 =	vcvt.f32.s32 v3;
	v3 =	vpop (erf)  }
0xb3: {  	v3 =	vmul.f32 v3, v0  }
0xb4: {  	v1 =	vld.idx.msk [tilespmem:v1+s10+$0x0], $0xffff  }
0xb5: {  	vm6 =	veq.f32 v4, $0.0e+00;
	v3 =	vmin.f32 v3, $1.023000000e+03  }
0xb6: {  	v2 =	vsel vm6, $0x3FF, v2;
	v3 =	vtrunc.f32 v3  }
0xb7: {  	(erf) = vrcp.f32 v7;
	_ =	sdelay $0x1  }
0xb8: {  	v4 =	vld [tilespmem:$0xA0];
	[tilespmem:$0x2550] =	vst v1;
	v1 =	vcvt.f32.s32 v3;
	v3 =	vpop (erf)  }
0xb9: {  	v3 =	vmul.f32 v3, v0  }
0xba: {  	v2 =	vld.idx.msk [tilespmem:v2+s10+$0x0], $0xffff  }
0xbb: {  	vm7 =	veq.f32 v5, $0.0e+00;
	v3 =	vmin.f32 v3, $1.023000000e+03  }
0xbc: {  	v1 =	vsel vm7, $0x3FF, v1;
	v3 =	vtrunc.f32 v3  }
0xbd: {  	(erf) = vrcp.f32 v4;
	_ =	sdelay $0x1  }
0xbe: {  	v5 =	vld [tilespmem:$0xB0];
	[tilespmem:$0x2560] =	vst v2;
	v2 =	vcvt.f32.s32 v3;
	v3 =	vpop (erf)  }
0xbf: {  	v3 =	vmul.f32 v3, v0  }
0xc0: {  	v1 =	vld.idx.msk [tilespmem:v1+s10+$0x0], $0xffff  }
0xc1: {  	vm8 =	veq.f32 v6, $0.0e+00;
	v3 =	vmin.f32 v3, $1.023000000e+03  }
0xc2: {  	v2 =	vsel vm8, $0x3FF, v2;
	v3 =	vtrunc.f32 v3  }
0xc3: {  	(erf) = vrcp.f32 v5;
	_ =	sdelay $0x1  }
0xc4: {  	v6 =	vld [tilespmem:$0xC0];
	[tilespmem:$0x2570] =	vst v1;
	v1 =	vcvt.f32.s32 v3;
	v3 =	vpop (erf)  }
0xc5: {  	v3 =	vmul.f32 v3, v0  }
0xc6: {  	v2 =	vld.idx.msk [tilespmem:v2+s10+$0x0], $0xffff  }
0xc7: {  	vm9 =	veq.f32 v7, $0.0e+00;
	v3 =	vmin.f32 v3, $1.023000000e+03  }
0xc8: {  	v1 =	vsel vm9, $0x3FF, v1;
	v3 =	vtrunc.f32 v3  }
0xc9: {  	(erf) = vrcp.f32 v6;
	_ =	sdelay $0x1  }
0xca: {  	v7 =	vld [tilespmem:$0xD0];
	[tilespmem:$0x2580] =	vst v2;
	v2 =	vcvt.f32.s32 v3;
	v3 =	vpop (erf)  }
0xcb: {  	v3 =	vmul.f32 v3, v0  }
0xcc: {  	v1 =	vld.idx.msk [tilespmem:v1+s10+$0x0], $0xffff  }
0xcd: {  	vm10 =	veq.f32 v4, $0.0e+00;
	v3 =	vmin.f32 v3, $1.023000000e+03  }
0xce: {  	v2 =	vsel vm10, $0x3FF, v2;
	v3 =	vtrunc.f32 v3  }
0xcf: {  	(erf) = vrcp.f32 v7;
	_ =	sdelay $0x1  }
0xd0: {  	v4 =	vld [tilespmem:$0xE0];
	[tilespmem:$0x2590] =	vst v1;
	v1 =	vcvt.f32.s32 v3;
	v3 =	vpop (erf)  }
0xd1: {  	v3 =	vmul.f32 v3, v0  }
0xd2: {  	v2 =	vld.idx.msk [tilespmem:v2+s10+$0x0], $0xffff  }
0xd3: {  	vm11 =	veq.f32 v5, $0.0e+00;
	v3 =	vmin.f32 v3, $1.023000000e+03  }
0xd4: {  	v1 =	vsel vm11, $0x3FF, v1;
	v3 =	vtrunc.f32 v3  }
0xd5: {  	(erf) = vrcp.f32 v4;
	_ =	sdelay $0x1  }
0xd6: {  	v5 =	vld [tilespmem:$0xF0];
	[tilespmem:$0x25A0] =	vst v2;
	v2 =	vcvt.f32.s32 v3;
	v3 =	vpop (erf)  }
0xd7: {  	v3 =	vmul.f32 v3, v0  }
0xd8: {  	vm12 =	veq.f32 v6, $0.0e+00;
	v1 =	vld.idx.msk [tilespmem:v1+s10+$0x0], $0xffff  }
0xd9: {  	v2 =	vsel vm12, $0x3FF, v2;
	v3 =	vmin.f32 v3, $1.023000000e+03  }
0xda: {  	v3 =	vtrunc.f32 v3  }
0xdb: {  	(erf) = vrcp.f32 v5;
	_ =	sdelay $0x1  }
0xdc: {  	[tilespmem:$0x25B0] =	vst v1;
	v1 =	vcvt.f32.s32 v3;
	v3 =	vpop (erf)  }
0xdd: {  	vm13 =	veq.f32 v7, $0.0e+00;
	v2 =	vld.idx.msk [tilespmem:v2+s10+$0x0], $0xffff;
	v3 =	vmul.f32 v3, v0  }
0xde: {  	v1 =	vsel vm13, $0x3FF, v1  }
0xdf: {  	v3 =	vmin.f32 v3, $1.023000000e+03  }
0xe0: {  	v3 =	vtrunc.f32 v3;
	_ =	sdelay $0x1  }
0xe1: {  	[tilespmem:$0x25C0] =	vst v2;
	v2 =	vcvt.f32.s32 v3  }
0xe2: {  	vm14 =	veq.f32 v4, $0.0e+00;
	v1 =	vld.idx.msk [tilespmem:v1+s10+$0x0], $0xffff;
	v3 =	vpop (erf)  }
0xe3: {  	v2 =	vsel vm14, $0x3FF, v2;
	v0 =	vmul.f32 v3, v0;
	_ =	sdelay $0x1  }
0xe4: {  	v0 =	vmin.f32 v0, $1.023000000e+03  }
0xe5: {  	v0 =	vtrunc.f32 v0  }
0xe6: {  	[tilespmem:$0x25D0] =	vst v1;
	v0 =	vcvt.f32.s32 v0  }
0xe7: {  	vm15 =	veq.f32 v5, $0.0e+00;
	v1 =	vld.idx.msk [tilespmem:v2+s10+$0x0], $0xffff  }
0xe8: {  	v0 =	vsel vm15, $0x3FF, v0;
	_ =	sdelay $0x3  }
0xe9: {  	[tilespmem:$0x25E0] =	vst v1  }
0xea: {  	v0 =	vld.idx.msk [tilespmem:v0+s10+$0x0], $0xffff;
	_ =	sdelay $0x4  }
0xeb: {  	s22 =	simm.s32 $0x0;
	[tilespmem:$0x25F0] =	vst v0  }
0xec: {  	v0 =	vld [tilespmem:s22+$0x570]  }
0xed: {  	v2 =	vld [tilespmem:s22+$0x510]  }
0xee: {  	v4 =	vld [tilespmem:s22+$0x500]  }
0xef: {  	v5 =	vld [tilespmem:s22+$0x520]  }
0xf0: {  	v6 =	vld [tilespmem:s22+$0x530]  }
0xf1: {  	v7 =	vld [tilespmem:s22+$0x540]  }
0xf2: {  	v8 =	vld [tilespmem:s22+$0x560]  }
0xf3: {  	s23 =	sand.u32 $0x1, s17;
	v62 =	vld [tilespmem:s22+$0x550]  }
0xf4: {  	s24 =	sshll.u32 s23, $0xD;
	v1 =	vld.idx.msk [tilespmem:v0+s12+$0x0], $0xffff  }
0xf5: {  	s25 =	sadd.s32 $0x6670, s24;
	v3 =	vld.idx.msk [tilespmem:v2+s12+$0x0], $0xffff  }
0xf6: {  	v63 =	vld.idx.msk [tilespmem:v4+s12+$0x0], $0xffff;
	v0 =	vmov s25  }
0xf7: {  	v5 =	vld.idx.msk [tilespmem:v5+s12+$0x0], $0xffff  }
0xf8: {  	v6 =	vld.idx.msk [tilespmem:v6+s12+$0x0], $0xffff  }
0xf9: {  	v4 =	vld.idx.msk [tilespmem:v7+s12+$0x0], $0xffff  }
0xfa: {  	v2 =	vld.idx.msk [tilespmem:v8+s12+$0x0], $0xffff  }
0xfb: {  	s24 =	sadd.s32 $0x6600, s24;
	v7 =	vld.idx.msk [tilespmem:v62+s12+$0x0], $0xffff;
	s25 =	simm.s32 $0x200;
	[tilespmem:v0+s22+$0xFFFFFF90 ss:$0x1] =	vst.idx.msk $0xffff, v63  }
.LBB2_5:
0xfc: {  	p2 =	sne.s32 s25, $0x7E00;
	[tilespmem:v0+s22+$0xFFFFFFA0 ss:$0x1] =	vst.idx.msk $0xffff, v3;
	s26 =	smov.u32 s25;
	s25 =	sadd.s32 $0x200, s25  }
0xfd: {  	[tilespmem:v0+s22+$0xFFFFFFB0 ss:$0x1] =	vst.idx.msk $0xffff, v5  }
0xfe: {  	[tilespmem:v0+s22+$0xFFFFFFC0 ss:$0x1] =	vst.idx.msk $0xffff, v6  }
0xff: {  	s26 =	sshra.s32 s26, $0x2;
	[tilespmem:v0+s22+$0xFFFFFFD0 ss:$0x1] =	vst.idx.msk $0xffff, v4  }
0x100: {  	[tilespmem:v0+s22+$0xFFFFFFE0 ss:$0x1] =	vst.idx.msk $0xffff, v7  }
0x101: {  	[tilespmem:v0+s22+$0xFFFFFFF0 ss:$0x1] =	vst.idx.msk $0xffff, v2  }
0x102: {  	[tilespmem:v0+s22+$0x0 ss:$0x1] =	vst.idx.msk $0xffff, v1;
	s22 =	smov.u32 s26  }
0x103: {  	v1 =	vld [tilespmem:s22+$0x570]  }
0x104: {  	v2 =	vld [tilespmem:s22+$0x520]  }
0x105: {  	v3 =	vld [tilespmem:s22+$0x510]  }
0x106: {  	v4 =	vld [tilespmem:s22+$0x500]  }
0x107: {  	v7 =	vld [tilespmem:s22+$0x540]  }
0x108: {  	v6 =	vld [tilespmem:s22+$0x530]  }
0x109: {  	v8 =	vld [tilespmem:s22+$0x550]  }
0x10a: {  	v9 =	vld [tilespmem:s22+$0x560];
	_ =	sdelay $0x1  }
0x10b: {  	v1 =	vld.idx.msk [tilespmem:v1+s12+$0x0], $0xffff  }
0x10c: {  	v3 =	vld.idx.msk [tilespmem:v3+s12+$0x0], $0xffff  }
0x10d: {  	v10 =	vld.idx.msk [tilespmem:v4+s12+$0x0], $0xffff  }
0x10e: {  	v5 =	vld.idx.msk [tilespmem:v2+s12+$0x0], $0xffff  }
.Ltmp1:
0x10f: {  	v6 =	vld.idx.msk [tilespmem:v6+s12+$0x0], $0xffff;
	(pc) =	sbr.rel @p2 .LBB2_5-.Ltmp1, $4  }
0x110: {  	v4 =	vld.idx.msk [tilespmem:v7+s12+$0x0], $0xffff  }
0x111: {  	v2 =	vld.idx.msk [tilespmem:v9+s12+$0x0], $0xffff  }
0x112: {  	v7 =	vld.idx.msk [tilespmem:v8+s12+$0x0], $0xffff  }
0x113: {  	[tilespmem:v0+s22+$0xFFFFFF90 ss:$0x1] =	vst.idx.msk $0xffff, v10  }
0x114: {  	_ =	sdelay $0x3  }
0x115: {  	[tilespmem:v0+s22+$0xFFFFFFA0 ss:$0x1] =	vst.idx.msk $0xffff, v3  }
0x116: {  	[tilespmem:v0+s22+$0xFFFFFFB0 ss:$0x1] =	vst.idx.msk $0xffff, v5  }
0x117: {  	[tilespmem:v0+s22+$0xFFFFFFC0 ss:$0x1] =	vst.idx.msk $0xffff, v6  }
0x118: {  	p2 =	seq.s32 s20, $0x7F;
	[tilespmem:v0+s22+$0xFFFFFFD0 ss:$0x1] =	vst.idx.msk $0xffff, v4  }
0x119: {  	p1 =	por p2, p1;
	[tilespmem:v0+s22+$0xFFFFFFE0 ss:$0x1] =	vst.idx.msk $0xffff, v7  }
0x11a: {  	s21 =	sshll.u32 @p1 s21, $0xA;
	[tilespmem:v0+s22+$0xFFFFFFF0 ss:$0x1] =	vst.idx.msk $0xffff, v2  }
0x11b: {  	s21 =	sand.u32 @p1 $0x1FFFFC00, s21;
	[tilespmem:v0+s22+$0x0 ss:$0x1] =	vst.idx.msk $0xffff, v1  }
0x11c: {  	s21 =	sadd.s32 @p1 s7, s21;
	_ =	strace $0x9000004E  }
0x11d: {  	s22 =	sadd.s32 @p1 $0x3, s23;
	s23 =	simm.s32 @p1 $0x0;
	_ =	strace @p1 $0x8000004F  }
0x11e: {  	[hbm4b:s21+s23] =	stream.linear.scatter @p1 [tilespmem:s24], [sflag:s22], $0x2000, $0x200038;
	[tilespmem:$0xA600] =	vst v63  }
0x11f: {  	s21 =	simm.s32 $0x1  }
0x120: {  	s23 =	simm.s32 $0x1;
	s21 =	simm.s32 @!p0 $0x0;
	p0 =	seq.s32 s20, $0x0  }
0x121: {  	_ =	strace @p1 $0x9000004F;
	s19 =	sadd.s32 s21, s19;
	s21 =	simm.s32 $0x1  }
0x122: {  	s21 =	simm.s32 @!p1 $0x0;
	p1 =	sne.s32 s20, $0x0;
	s20 =	sadd.s32 $0x1, s20  }
0x123: {  	s22 =	sand.u32 @!p0 $0x1, s15;
	s23 =	simm.s32 @!p1 $0x0;
	p1 =	sne.s32 s20, $0x80  }
.Ltmp2:
0x124: {  	_ =	strace @!p0 $0x80000050;
	s22 =	sadd.s32 @!p0 $0x3, s22;
	(pc) =	sbr.rel @p1 .LBB2_2-.Ltmp2, $4  }
0x125: {  	_ =	swait.ge @!p0 [sflag:s22], $0x2000  }
0x126: {  	[sflag:s22] =	ssyncset.done @!p0 $0x0  }
0x127: {  	s17 =	sadd.s32 s21, s17;
	[sflag:s22] =	ssyncadd.s32 @!p0 $0xFFFFE000  }
0x128: {  	s18 =	sadd.s32 s21, s18;
	s15 =	sadd.s32 s23, s15;
	_ =	strace @!p0 $0x90000050  }
0x129: {  	s14 =	sadd.s32 $0x1, s14  }
0x12a: {  	s15 =	sand.u32 $0x1, s15;
	p0 =	sne.s32 s14, s9  }
.Ltmp3:
0x12b: {  	_ =	strace $0x80000051;
	s15 =	sadd.s32 $0x3, s15;
	(pc) =	sbr.rel @p0 .LBB2_1-.Ltmp3, $4  }
0x12c: {  	_ =	swait.ge [sflag:s15], $0x2000  }
0x12d: {  	[sflag:s15] =	ssyncset.done $0x0  }
0x12e: {  	[sflag:s15] =	ssyncadd.s32 $0xFFFFE000  }
0x12f: {  	_ =	strace $0x90000051  }
0x130: {  	_ =	sfence.sel $0x180000  }
0x131: {  	[bflag:$0x0] =	sbarrier.arrive $0xFFFF  }
0x132: {  	p0 =	sne.s32 s2, $0x0;
	_ =	strace $0x9000004A  }
0x133: {  	s0 =	sadd.s32 @!p0 $0x100000, s0;
	[bflag:$0x2] =	sbarrier.arrive $0xFFFF  }
0x134: {  	[sflag:s0] =	ssyncadd.tile.s32 @!p0 $0x1;
	_ =	shalt  }
.Lfunc_end2:
_tile_overlayer_lowered:
.L_overlay_start_2:
0x135: {  	(tag) =	ssettag $0x2  }
0x136: {  	s0 =	rddreg [dreg:$0x0];
	s2 =	stileid.u32  }
0x137: {  	s1 =	rddreg [dreg:$0x1];
	p0 =	sne.s32 s2, $0x0  }
0x138: {  	s3 =	rddreg [dreg:$0x2];
	[bflag:$0x3] =	sbarrier.arrive $0xFFFF;
	s2 =	simm.s32 @!p0 $0x1C01  }
0x139: {  	[timem:s3], [sflag:s2] =	dma.local @!p0 [hbm:s0], s1  }
0x13a: {  	s0 =	simm.s32 @!p0 $0x1  }
0x13b: {  	_ =	swait.ge @!p0 [sflag:s0], s1  }
0x13c: {  	s1 =	ssub.s32 @!p0 $0x0, s1;
	[sflag:s0] =	ssyncset.done @!p0 $0x0  }
0x13d: {  	[sflag:s0] =	ssyncadd.s32 @!p0 s1  }
0x13e: {  	[bflag:$0x3] =	sbarrier.arrive $0xFFFF  }
0x13f: {  	_ =	shalt  }

// kernel: sparse-core-data-format-call.cloned.1.call-start
scs
called_computation_lowered:
.L_overlay_start_0:
0x0: {  	s2 =	sld [smem:$0x3FD9]  }
0x1: {  	s3 =	sld [smem:$0x3FFE];
	_ =	sdelay $0x1  }
0x2: {  	s1 =	srdreg.scid  }
0x3: {  	s0 =	sand.u32 $0x1, s1  }
0x4: {  	s19 =	sshll.u32 s0, $0xA;
	s2 =	sadd.s32 s3, s2  }
0x5: {  	s2 =	sadd.s32 s2, s19  }
0x6: {  	[smem:$0x3FC6] =	sst s2  }
0x7: {  	_ = 	snop  }
0x8: {  	s2 =	sld [smem:$0x3FC9]  }
0x9: {  	s20 =	sld [smem:$0x3FD0];
	(tm) =	ssettm $0x1  }
0xa: {  	s4 =	sld [smem:$0x3FFB];
	_ =	sdelay $0x3  }
0xb: {  	_ =	strace s4  }
0xc: {  	s4 =	sld [smem:$0x3FFC];
	_ =	sdelay $0x3  }
0xd: {  	_ =	strace s4  }
0xe: {  	s4 =	sld [smem:$0x3FFD];
	_ =	sdelay $0x3  }
0xf: {  	_ =	strace s4  }
0x10: {  	_ =	strace $0x8FFFFFFF  }
0x11: {  	s21 =	sld [smem:$0x3FDB];
	_ =	sdelay $0x1  }
0x12: {  	s5 =	simm.s32 $_scs_section_size  }
0x13: {  	s6 =	simm.s32 $_size__tile_overlayer_lowered;
	s7 =	simm.s32 $_tile_overlayer_lowered  }
0x14: {  	s24 =	simm.s32 $0x1BFF;
	s23 =	sshll.u32 s7, $0x1;
	s4 =	sadd.s32 s5, s21  }
0x15: {  	s8 =	simm.s32 $0x0;
	s22 =	sshll.u32 s6, $0x1;
	s6 =	sadd.s32 s23, s4  }
0x16: {  	[timem:s8], [sflag:s24] =	dma.local [hbm:s6], s22  }
0x17: {  	_ =	swait.ge [sflag:s24], s22  }
0x18: {  	s5 =	ssub.s32 $0x0, s22;
	[sflag:s24] =	ssyncset.done $0x0  }
0x19: {  	[sflag:s24] =	ssyncadd.s32 s5;
	_ =	sdelay $0x1  }
0x1a: {  	s25 =	simm.s32 $0x1B8B  }
0x1b: {  	_ =	swait.ge [sflag:s25], $0x1  }
0x1c: {  	[sflag:s25] =	ssyncset.done $0x0  }
0x1d: {  	s26 =	simm.s32 $0x1B8E;
	[sflag:s25] =	ssyncadd.s32 $0xFFFFFFFF  }
0x1e: {  	s27 =	simm.s32 $execute0_lowered;
	[smem:$0x3FD2] =	sst s26  }
0x1f: {  	s5 =	sshll.u32 s27, $0x1;
	_ =	strace $0x80000046;
	[dreg:$0x1] =	wrdreg $0xFFFFFFFF  }
0x20: {  	s28 =	simm.s32 $_size_execute0_lowered;
	s4 =	sadd.s32 s4, s5;
	[dreg:$0x0] =	wrdreg $0x0  }
0x21: {  	s5 =	sshll.u32 s28, $0x1;
	[dreg:$0x2] =	wrdreg s4  }
0x22: {  	[dreg:$0x3] =	wrdreg s5  }
0x23: {  	[dreg:$0x4] =	wrdreg $0xC0  }
0x24: {  	_ =	task [dreg:s8], $0x5FFFF  }
0x25: {  	[dreg:$0x1] =	wrdreg $0xFFFFFFFF  }
0x26: {  	[dreg:$0x0] =	wrdreg $0x60  }
0x27: {  	[dreg:$0x2] =	wrdreg s2  }
0x28: {  	[dreg:$0x3] =	wrdreg s20  }
0x29: {  	[dreg:$0x4] =	wrdreg $0x9  }
0x2a: {  	_ =	task.clear_ibuf [dreg:s8], $0x5FFFF;
	_ =	strace $0x90000046  }
0x2b: {  	s29 =	simm.s32 $0x9;
	_ =	strace $0x80000048  }
0x2c: {  	_ =	swait.ge [sflag:s29], $0x1  }
0x2d: {  	[sflag:s29] =	ssyncadd.s32 $0xFFFFFFFF  }
0x2e: {  	_ =	strace $0x90000048  }
0x2f: {  	_ =	sfence  }
0x30: {  	s30 =	sld [smem:$0x0];
	_ =	sdelay $0x2  }
0x31: {  	s31 =	sshll.u32 s1, $0xD;
	s1 =	sshrl.u32 s1, $0x2  }
0x32: {  	s3 =	sand.u32 $0x4000, s31;
	s1 =	sadd.s32 s1, s30  }
0x33: {  	s0 =	sor.u32 s3, s0;
	s1 =	sshll.u32 s1, $0x11  }
0x34: {  	s0 =	sor.u32 s1, s0  }
0x35: {  	s0 =	sadd.s32 $0x8F2B, s0  }
0x36: {  	[sflag:s0] =	ssyncadd.remote.s32 $0x1  }
0x37: {  	_ =	sfence.sel $0xFFFF  }
0x38: {  	[dreg:$0x0] =	wrdreg $0xFFFFFFFF;
	(pc) =	sbr.abs _section_cstart, $3  }
0x39: {  	[dreg:$0x1] =	wrdreg $0xFFFFFFFF  }
0x3a: {  	_ =	task.clear_ibuf [dreg:s8], $0x2FFFF;
	_ =	strace $0x9FFFFFFF  }
0x3b: {  	(tm) =	ssettm $0x7FFFFFFF  }
tec
execute0_lowered:
.L_overlay_start_1:
0x0: {  	(tag) =	ssettag $0x1  }
0x1: {  	s2 =	rddreg [dreg:$0x0]  }
0x2: {  	s3 =	rddreg [dreg:$0x1]  }
0x3: {  	s0 =	rddreg [dreg:$0x2];
	_ =	strace $0x80000047  }
0x4: {  	s4 =	srdreg.scid;
	s1 =	stileid.u32;
	s6 =	simm.s32 $0x2  }
.Ltmp0:
0x5: {  	s11 =	simm.s32 $0x0;
	p0 =	por $0x0, $0x0;
	(pc) =	sbr.rel .LBB1_1-.Ltmp0, $4  }
0x6: {  	s7 =	simm.s32 $0x2000;
	s12 =	simm.s32 $0x0;
	s5 =	sshll.u32 s4, $0x4  }
0x7: {  	s9 =	simm.s32 $0x0;
	s4 =	simm.s32 $0x1;
	s5 =	sand.u32 $0x10, s5  }
0x8: {  	s8 =	simm.s32 $0x0;
	[sflag:s4] =	ssyncpa.u1 $0x0;
	s5 =	sor.u32 s1, s5  }
0x9: {  	[sflag:s6] =	ssyncpa.u1 $0x0;
	s6 =	simm.s32 $0x800;
	s10 =	smov.u32 s5  }
.LBB1_7:
0xa: {  	s13 =	sadd.s32 $0x10, s9  }
0xb: {  	s11 =	sadd.s32 $0x20, s10;
	s15 =	smov.u32 s10;
	p2 =	sgt.s32 s13, $0x3F  }
0xc: {  	p1 =	slt.u32 s8, $0x2;
	s15 =	smov.u32 @p2 s11  }
0xd: {  	s8 =	sadd.s32 $0x1, s8;
	s13 =	simm.s32 @p2 $0x0;
	p2 =	sgt.s32 s15, $0x1FF  }
0xe: {  	s15 =	smov.u32 @p2 s5;
	p2 =	sne.s32 s8, $0x42  }
.Ltmp1:
0xf: {  	_ = 	snop;
	(pc) =	sbr.rel @!p2 .LBB1_8-.Ltmp1, $4  }
0x10: {  	s14 =	simm.s32 @!p1 $0x2  }
0x11: {  	s12 =	smov.u32 s10;
	_ =	swait.ge @!p1 [sflag:s14], $0x4000  }
0x12: {  	p0 =	por !p0, !p0;
	s11 =	smov.u32 s9;
	[sflag:s14] =	ssyncset.done @!p1 $0x0  }
0x13: {  	s9 =	smov.u32 s13;
	[sflag:s14] =	ssyncadd.s32 @!p1 $0xFFFFC000;
	s10 =	smov.u32 s15  }
.LBB1_1:
0x14: {  	p1 =	sgt.u32 s8, $0x3F  }
0x15: {  	s13 =	sxor.u32 @!p1 $0xFFFFFFFF, s8;
	s14 =	sshll.u32 @!p1 s10, $0xD  }
0x16: {  	s15 =	sshll.u32 @!p1 s9, $0x7;
	s13 =	sshll.u32 @!p1 s13, $0xE;
	s14 =	sadd.s32 @!p1 s2, s14  }
0x17: {  	s13 =	sand.u32 @!p1 $0x4000, s13;
	s14 =	sadd.s32 @!p1 s15, s14;
	s15 =	simm.s32 @!p1 $0x0  }
0x18: {  	[tilespmem:s13], [sflag:$0x1] =	stream.linear.gather @!p1 [hbm4b:s14+s15], $0x4000, $0x38;
	[tilespmem:$0x10000] =	vst v63  }
0x19: {  	p1 =	seq.s32 s8, $0x0  }
0x1a: {  	p2 =	seq.s32 @!p1 s8, $0x41  }
0x1b: {  	p1 =	por p1, p2  }
.Ltmp2:
0x1c: {  	_ = 	snop;
	(pc) =	sbr.rel @p1 .LBB1_7-.Ltmp2, $1  }
0x1d: {  	_ =	sdelay $0x3  }
0x1e: {  	s13 =	simm.s32 $0x1;
	_ =	swait.ge [sflag:s4], $0x4000;
	s16 =	sshll.u32 s8, $0xE  }
0x1f: {  	s13 =	simm.s32 @!p0 $0x0;
	[sflag:s4] =	ssyncset.done $0x0;
	s31 =	sand.u32 $0x4000, s16  }
0x20: {  	s16 =	simm.s32 $0x0;
	s14 =	sshll.u32 s13, $0xE;
	[sflag:s4] =	ssyncadd.s32 $0xFFFFC000  }
0x21: {  	s13 =	sor.u32 $0x8040, s14;
	s15 =	sor.u32 $0x40, s14;
	s14 =	sor.u32 $0x8000, s31  }
.LBB1_3:
0x22: {  	v0 =	vmov s15;
	_ =	sdelay $0x3  }
0x23: {  	s18 =	simm.s32 $0x0  }
0x24: {  	v6 =	vld.idx.msk [tilespmem:v0+s18+$0x30 ss:$0x1], $0xffff  }
0x25: {  	v7 =	vld.idx.msk [tilespmem:v0+s18+$0xFFFFFFC0 ss:$0x1], $0xffff  }
0x26: {  	v5 =	vld.idx.msk [tilespmem:v0+s18+$0xFFFFFFD0 ss:$0x1], $0xffff  }
0x27: {  	v4 =	vld.idx.msk [tilespmem:v0+s18+$0xFFFFFFE0 ss:$0x1], $0xffff  }
0x28: {  	v3 =	vld.idx.msk [tilespmem:v0+s18+$0xFFFFFFF0 ss:$0x1], $0xffff  }
0x29: {  	v1 =	vld.idx.msk [tilespmem:v0+s18+$0x0 ss:$0x1], $0xffff  }
0x2a: {  	v2 =	vld.idx.msk [tilespmem:v0+s18+$0x10 ss:$0x1], $0xffff;
	[tilespmem:s13+$0x30] =	vst v6  }
0x2b: {  	s17 =	simm.s32 $0x80;
	s19 =	simm.s32 $0x400;
	[tilespmem:s13+$0xFFFFFFC0] =	vst v7;
	v6 =	vld.idx.msk [tilespmem:v0+s18+$0x20 ss:$0x1], $0xffff;
	s18 =	smov.u32 s13  }
.LBB1_4:
0x2c: {  	p1 =	sne.s32 s19, $0xE00;
	v7 =	vld.idx.msk [tilespmem:v0+s17+$0x30 ss:$0x1], $0xffff;
	[tilespmem:s18+$0xFFFFFFD0] =	vst v5  }
0x2d: {  	v8 =	vld.idx.msk [tilespmem:v0+s17+$0xFFFFFFC0 ss:$0x1], $0xffff;
	[tilespmem:s18+$0xFFFFFFE0] =	vst v4  }
0x2e: {  	v5 =	vld.idx.msk [tilespmem:v0+s17+$0xFFFFFFD0 ss:$0x1], $0xffff;
	[tilespmem:s18+$0xFFFFFFF0] =	vst v3  }
.Ltmp3:
0x2f: {  	v4 =	vld.idx.msk [tilespmem:v0+s17+$0xFFFFFFE0 ss:$0x1], $0xffff;
	[tilespmem:s18+$0x0] =	vst v1;
	(pc) =	sbr.rel @p1 .LBB1_4-.Ltmp3, $4  }
0x30: {  	v3 =	vld.idx.msk [tilespmem:v0+s17+$0xFFFFFFF0 ss:$0x1], $0xffff;
	[tilespmem:s18+$0x10] =	vst v2  }
0x31: {  	v1 =	vld.idx.msk [tilespmem:v0+s17+$0x0 ss:$0x1], $0xffff;
	[tilespmem:s18+$0x20] =	vst v6;
	s18 =	sadd.s32 $0x800, s18  }
0x32: {  	v2 =	vld.idx.msk [tilespmem:v0+s17+$0x10 ss:$0x1], $0xffff;
	[tilespmem:s18+$0x30] =	vst v7  }
0x33: {  	[tilespmem:s18+$0xFFFFFFC0] =	vst v8;
	v6 =	vld.idx.msk [tilespmem:v0+s17+$0x20 ss:$0x1], $0xffff;
	s17 =	sshra.s32 s19, $0x2;
	s19 =	sadd.s32 $0x200, s19  }
0x34: {  	_ =	sdelay $0x2  }
0x35: {  	[tilespmem:s18+$0xFFFFFFD0] =	vst v5  }
0x36: {  	v56 =	vld.idx.msk [tilespmem:v0+s17+$0x30 ss:$0x1], $0xffff;
	[tilespmem:s18+$0xFFFFFFE0] =	vst v4  }
0x37: {  	v57 =	vld.idx.msk [tilespmem:v0+s17+$0xFFFFFFC0 ss:$0x1], $0xffff;
	[tilespmem:s18+$0xFFFFFFF0] =	vst v3  }
0x38: {  	v58 =	vld.idx.msk [tilespmem:v0+s17+$0xFFFFFFD0 ss:$0x1], $0xffff;
	[tilespmem:s18+$0x0] =	vst v1  }
0x39: {  	v59 =	vld.idx.msk [tilespmem:v0+s17+$0xFFFFFFE0 ss:$0x1], $0xffff;
	[tilespmem:s18+$0x10] =	vst v2  }
0x3a: {  	v60 =	vld.idx.msk [tilespmem:v0+s17+$0xFFFFFFF0 ss:$0x1], $0xffff;
	s31 =	sadd.s32 $0x800, s18;
	[tilespmem:s18+$0x20] =	vst v6  }
0x3b: {  	v61 =	vld.idx.msk [tilespmem:v0+s17+$0x0 ss:$0x1], $0xffff;
	[tilespmem:s31+$0x30] =	vst v56  }
0x3c: {  	v62 =	vld.idx.msk [tilespmem:v0+s17+$0x10 ss:$0x1], $0xffff;
	s16 =	sadd.s32 $0x1, s16;
	[tilespmem:s31+$0xFFFFFFC0] =	vst v57  }
0x3d: {  	v63 =	vld.idx.msk [tilespmem:v0+s17+$0x20 ss:$0x1], $0xffff;
	p1 =	sne.s32 s16, $0x10;
	[tilespmem:s31+$0xFFFFFFD0] =	vst v58  }
.Ltmp4:
0x3e: {  	[tilespmem:s31+$0xFFFFFFE0] =	vst v59;
	(pc) =	sbr.rel @p1 .LBB1_3-.Ltmp4, $4  }
0x3f: {  	[tilespmem:s31+$0xFFFFFFF0] =	vst v60  }
0x40: {  	[tilespmem:s31+$0x0] =	vst v61  }
0x41: {  	[tilespmem:s31+$0x10] =	vst v62  }
0x42: {  	s13 =	sadd.s32 $0x80, s13;
	s15 =	sadd.s32 $0x400, s15;
	[tilespmem:s31+$0x20] =	vst v63  }
.Ltmp5:
0x43: {  	(pc) =	sbr.rel .LBB1_7-.Ltmp5, $4  }
0x44: {  	s12 =	sshll.u32 s12, $0xD;
	s11 =	sshll.u32 s11, $0x4  }
0x45: {  	s11 =	sand.u32 $0x3F0, s11;
	s12 =	sadd.s32 s3, s12  }
0x46: {  	s11 =	sadd.s32 s11, s12  }
0x47: {  	[hbm4b:s11+s6] =	stream.strided.scatter [tilespmem:s14], [sflag:$0x2], $0x4000, s7, s6, $0x38;
	[tilespmem:$0x10000] =	vst v63  }
.LBB1_8:
0x48: {  	_ =	sfence.sel $0x180000  }
0x49: {  	s2 =	simm.s32 $0x1;
	[bflag:$0x0] =	sbarrier.arrive $0xFFFF  }
0x4a: {  	s31 =	simm.s32 $0x2;
	[sflag:s2] =	ssyncpa.u1 $0x1  }
0x4b: {  	[sflag:s31] =	ssyncpa.u1 $0x1  }
0x4c: {  	p0 =	sne.s32 s1, $0x0;
	_ =	strace $0x90000047  }
0x4d: {  	s0 =	sadd.s32 @!p0 $0x100000, s0;
	[bflag:$0x2] =	sbarrier.arrive $0xFFFF  }
0x4e: {  	[sflag:s0] =	ssyncadd.tile.s32 @!p0 $0x1;
	_ =	shalt  }
.Lfunc_end1:
_tile_overlayer_lowered:
.L_overlay_start_2:
0x4f: {  	(tag) =	ssettag $0x2  }
0x50: {  	s0 =	rddreg [dreg:$0x0];
	s2 =	stileid.u32  }
0x51: {  	s1 =	rddreg [dreg:$0x1];
	p0 =	sne.s32 s2, $0x0  }
0x52: {  	s3 =	rddreg [dreg:$0x2];
	[bflag:$0x3] =	sbarrier.arrive $0xFFFF;
	s2 =	simm.s32 @!p0 $0x1C01  }
0x53: {  	[timem:s3], [sflag:s2] =	dma.local @!p0 [hbm:s0], s1  }
0x54: {  	s0 =	simm.s32 @!p0 $0x1  }
0x55: {  	_ =	swait.ge @!p0 [sflag:s0], s1  }
0x56: {  	s1 =	ssub.s32 @!p0 $0x0, s1;
	[sflag:s0] =	ssyncset.done @!p0 $0x0  }
0x57: {  	[sflag:s0] =	ssyncadd.s32 @!p0 s1  }
0x58: {  	[bflag:$0x3] =	sbarrier.arrive $0xFFFF  }
0x59: {  	_ =	shalt  }

</sc_bundles>
